<compile_context>
chip_gen: v7x
topology: tpu7x:2x2x1
jax: 0.10.2.dev20260603
libtpu: 0.0.44.dev20260713+nightly
codegen_flags: <defaults>
</compile_context>

<pallas_src>
import jax
import jax.numpy as jnp
from jax import lax
from jax.experimental import pallas as pl
from jax.experimental.pallas import tpu as pltpu
from jax.experimental.pallas import tpu_sc as plsc

N_ATTENDED = 48
VALUE_BITS = 256
COUNT_BITS = 7
N_BITS_PER_NEURON = 14
RAM_SIZE = 16384
TAIL_START = VALUE_BITS * COUNT_BITS
L = 16
NS = 16
ROWS_PER_SUM = 8
NSUM = N_ATTENDED // ROWS_PER_SUM
NEUR_PER_SUB = VALUE_BITS // NS


def _body(av_hbm, conn_hbm, ram_hbm, out_hbm,
          av_v, conn_v, part_v, csum_v, counts_v, idx_v, vals_v,
          sh_counts, sem, conn_sem):
    s = lax.axis_index("s")

    c0 = pl.multiple_of(s * (NEUR_PER_SUB * N_BITS_PER_NEURON),
                        NEUR_PER_SUB * N_BITS_PER_NEURON)
    conn_dma = pltpu.async_copy(
        conn_hbm.at[pl.ds(c0, NEUR_PER_SUB * N_BITS_PER_NEURON)],
        conn_v, conn_sem)

    @pl.when(s < 2 * NSUM)
    def _():
        pltpu.sync_copy(av_hbm.at[s >> 1, s & 1], av_v)

        def p1(k, _):
            sl = pl.ds(k * L, L)
            acc = av_v[0, sl]
            for r in range(1, ROWS_PER_SUM):
                acc = acc + av_v[r, sl]
            part_v[sl] = acc
            return 0

        lax.fori_loop(0, 128 // L, p1, 0)
        pltpu.sync_copy(part_v, sh_counts.at[s])

    plsc.subcore_barrier()
    pltpu.sync_copy(sh_counts, csum_v)

    def merge(t, _):
        ch = t >> 3
        sl = pl.ds((t & 7) * L, L)
        tot = csum_v[ch, sl]
        for rb in range(1, NSUM):
            tot = tot + csum_v[2 * rb + ch, sl]
        counts_v[pl.ds(t * L, L)] = jnp.minimum(tot, 64)
        return 0

    lax.fori_loop(0, VALUE_BITS // L, merge, 0)

    n0 = pl.multiple_of(s * NEUR_PER_SUB, NEUR_PER_SUB)
    conn_dma.wait()
    lanes = lax.broadcasted_iota(jnp.int32, (L,), 0)
    conn_base = lanes * N_BITS_PER_NEURON

    def p2(j, addr):
        p = plsc.load_gather(conn_v, [conn_base + j])
        c = jnp.minimum(p // COUNT_BITS, VALUE_BITS - 1)
        k = p % COUNT_BITS
        cnt = plsc.load_gather(counts_v, [c])
        bit_main = (cnt >> (6 - k)) & 1
        q = jnp.clip(p - TAIL_START, 0, COUNT_BITS - 1)
        bit_tail = (jnp.full((L,), N_ATTENDED, jnp.int32) >> (6 - q)) & 1
        bit = jnp.where(p < TAIL_START, bit_main, bit_tail)
        return (addr << 1) | bit

    addr = lax.fori_loop(0, N_BITS_PER_NEURON, p2, jnp.zeros((L,), jnp.int32))
    n = n0 + lanes
    idx_v[...] = (((n >> 3) * 128 + (addr >> 7)) << 10) \
        | ((n & 7) << 7) | (addr & 127)
    pltpu.async_copy(ram_hbm.at[idx_v], vals_v, sem).wait()
    pltpu.sync_copy(vals_v, out_hbm.at[pl.ds(n0, NEUR_PER_SUB)])


@jax.jit
def kernel(attended_values, connections, ram_table):
    ram_flat = jnp.transpose(
        ram_table.reshape(32, 8, 128, 128), (0, 2, 1, 3)).reshape(-1)
    av4 = jnp.transpose(
        attended_values.reshape(6, 8, 2, 128), (0, 2, 1, 3))
    conn_flat = connections.reshape(-1)
    mesh = plsc.VectorSubcoreMesh(
        core_axis_name="c", subcore_axis_name="s", num_cores=1)
    f = pl.kernel(
        _body,
        out_type=jax.ShapeDtypeStruct((VALUE_BITS,), jnp.float32),
        mesh=mesh,
        scratch_types=[
            pltpu.VMEM((ROWS_PER_SUM, 128), jnp.int32),
            pltpu.VMEM((NEUR_PER_SUB * N_BITS_PER_NEURON,), jnp.int32),
            pltpu.VMEM((128,), jnp.int32),
            pltpu.VMEM((2 * NSUM, 128), jnp.int32),
            pltpu.VMEM((VALUE_BITS,), jnp.int32),
            pltpu.VMEM((L,), jnp.int32),
            pltpu.VMEM((L,), jnp.float32),
            pltpu.VMEM_SHARED((2 * NSUM, 128), jnp.int32),
            pltpu.SemaphoreType.DMA,
            pltpu.SemaphoreType.DMA,
        ],
        compiler_params=pltpu.CompilerParams(
            use_tc_tiling_on_sc=False, needs_layout_passes=False),
    )
    return f(av4, conn_flat, ram_flat)

# --- scband reference (transcript-rebuilt; emitter-appended) ---
"""Pipeline reference for scband-ramaggregator-27668179321265 (READ-ONLY COPY).

The authoritative reference and input builder live on the scoring server;
editing this copy changes nothing except your own understanding.
"""

import jax, jax.numpy as jnp
import numpy as np

VALUE_BITS = 256
MAX_ATTENDED = 64
COUNT_BITS = (MAX_ATTENDED + 1).bit_length()  # 7
N_ATT_BITS = COUNT_BITS                        # 7
TOTAL_BITS = VALUE_BITS * COUNT_BITS + N_ATT_BITS  # 1799
N_BITS_PER_NEURON = min(TOTAL_BITS, 14)        # 14
RAM_SIZE = 2 ** N_BITS_PER_NEURON              # 16384
N_ATTENDED = 48


def _encode_count(vals, n_bits):
    # MSB-first binary encoding, matching torch _encode_count loop
    shifts = jnp.arange(n_bits - 1, -1, -1, dtype=jnp.int32)
    return (vals[..., None] >> shifts) & 1


def setup_inputs(seed: int = 0) -> dict:
    key = jax.random.key(seed)
    k1, k2, k3 = jax.random.split(key, 3)
    attended_values = jax.random.randint(k1, (N_ATTENDED, VALUE_BITS), 0, 2, dtype=jnp.int32)
    # RAMLayer params: each of the VALUE_BITS output neurons reads
    # N_BITS_PER_NEURON randomly-chosen input bit positions.
    connections = jax.random.randint(k2, (VALUE_BITS, N_BITS_PER_NEURON), 0, TOTAL_BITS, dtype=jnp.int32)
    # RAM contents: one cell per (neuron, address); binary values stored as float32
    ram_table = jax.random.bernoulli(k3, 0.5, (VALUE_BITS, RAM_SIZE)).astype(jnp.float32)
    return {"attended_values": attended_values, "connections": connections, "ram_table": ram_table}


def reference(attended_values, connections, ram_table):
    n_attended = attended_values.shape[0]
    # per-bit vote counts across attended values
    counts = jnp.sum(attended_values.astype(jnp.int32), axis=0)  # [VALUE_BITS]
    counts = jnp.minimum(counts, MAX_ATTENDED)
    count_bits = _encode_count(counts, COUNT_BITS).reshape(-1)  # [VALUE_BITS * COUNT_BITS]
    n_att = min(n_attended, MAX_ATTENDED)
    n_att_bits = _encode_count(jnp.asarray(n_att, dtype=jnp.int32), N_ATT_BITS).reshape(-1)  # [N_ATT_BITS]
    all_bits = jnp.concatenate([count_bits, n_att_bits]).astype(jnp.int32)  # [TOTAL_BITS]
    # RAMLayer forward: gather each neuron's connected bits, form address, look up RAM cell
    gathered = all_bits[connections]  # [VALUE_BITS, N_BITS_PER_NEURON]
    powers = (2 ** jnp.arange(N_BITS_PER_NEURON - 1, -1, -1)).astype(jnp.int32)
    addr = jnp.sum(gathered * powers, axis=1)  # [VALUE_BITS]
    out = jnp.take_along_axis(ram_table, addr[:, None], axis=1)[:, 0]  # [VALUE_BITS]
    return out

if __name__ == "__main__":
    import jax
    _d = setup_inputs()
    print(jax.jit(kernel)(*tuple(_d.values())))

</pallas_src>

<mosaic_0001>
#map = affine_map<(d0, d1) -> (0, 0, 0, 0)>
#map1 = affine_map<(d0, d1) -> (0)>
module attributes {stable_mosaic.version = 14 : i64} {
  func.func @_body(%arg0: i32, %arg1: i32, %arg2: memref<6x2x8x128xi32, #tpu.memory_space<hbm>>, %arg3: memref<3584xi32, #tpu.memory_space<hbm>>, %arg4: memref<4194304xf32, #tpu.memory_space<hbm>>, %arg5: memref<256xf32, #tpu.memory_space<hbm>>, %arg6: memref<8x128xi32, #tpu.memory_space<vmem>>, %arg7: memref<224xi32, #tpu.memory_space<vmem>>, %arg8: memref<128xi32, #tpu.memory_space<vmem>>, %arg9: memref<12x128xi32, #tpu.memory_space<vmem>>, %arg10: memref<256xi32, #tpu.memory_space<vmem>>, %arg11: memref<16xi32, #tpu.memory_space<vmem>>, %arg12: memref<16xf32, #tpu.memory_space<vmem>>, %arg13: memref<12x128xi32, #tpu.memory_space<vmem_shared>>, %arg14: memref<!tpu.dma_semaphore, #tpu.memory_space<semaphore_mem>>, %arg15: memref<!tpu.dma_semaphore, #tpu.memory_space<semaphore_mem>>) attributes {dimension_semantics = [#tpu.dimension_semantics<core_parallel>, #tpu.dimension_semantics<subcore_parallel>], iteration_bounds = array<i64: 1, 16>, scalar_prefetch = 0 : i64, scratch_operands = 10 : i64, tpu.core_type = #tpu.core_type<sc_vector_subcore>, window_params = [{transform_indices = #map}, {transform_indices = #map1}, {transform_indices = #map1}, {transform_indices = #map1}]} {
    %mul3A = arith.constant 224 : i32
    %mul3A_0 = arith.muli %arg1, %mul3A : i32
    %multiple_of3A = tpu.assume_multiple %mul3A_0, 224 : i32
    %dma_start3A = tpu.memref_slice %arg3[%multiple_of3A] : memref<3584xi32, #tpu.memory_space<hbm>> -> memref<224xi32, #tpu.memory_space<hbm>>
    %dma_start3A_1 = tpu.memref_slice %arg3[%multiple_of3A] : memref<3584xi32, #tpu.memory_space<hbm>> -> memref<224xi32, #tpu.memory_space<hbm>>
    tpu.enqueue_dma source(%dma_start3A_1 : memref<224xi32, #tpu.memory_space<hbm>>) target(%arg7 : memref<224xi32, #tpu.memory_space<vmem>>) target_semaphore(%arg15 : memref<!tpu.dma_semaphore, #tpu.memory_space<semaphore_mem>>)
    %lt3A = arith.constant 12 : i32
    %lt3A_2 = arith.cmpi slt, %arg1, %lt3A : i32
    %convert_element_type3A = arith.extui %lt3A_2 : i1 to i32
    %cond3A = arith.constant 0 : i32
    %cond3A_3 = arith.cmpi ne, %convert_element_type3A, %cond3A : i32
    scf.if %cond3A_3 {
      %shift_right_arithmetic3A_50 = arith.constant 1 : i32
      %shift_right_arithmetic3A_51 = arith.shrsi %arg1, %shift_right_arithmetic3A_50 : i32
      %and3A_52 = arith.constant 1 : i32
      %and3A_53 = arith.andi %arg1, %and3A_52 : i32
      "tpu.region"() ({
        %run_scoped3A = tpu.sem_alloc : memref<!tpu.dma_semaphore, #tpu.memory_space<semaphore_mem>>
        %dma_start3A_61 = arith.constant 0 : i32
        %dma_start3A_62 = arith.constant 0 : i32
        %dma_start3A_63 = tpu.memref_slice %arg2[%shift_right_arithmetic3A_51, %and3A_53, %dma_start3A_61, %dma_start3A_62] : memref<6x2x8x128xi32, #tpu.memory_space<hbm>> -> memref<1x1x8x128xi32, #tpu.memory_space<hbm>>
        %dma_start3A_64 = tpu.memref_squeeze %dma_start3A_63 : memref<1x1x8x128xi32, #tpu.memory_space<hbm>> -> memref<8x128xi32, #tpu.memory_space<hbm>>
        %dma_start3A_65 = arith.constant 0 : i32
        %dma_start3A_66 = arith.constant 0 : i32
        %dma_start3A_67 = tpu.memref_slice %arg2[%shift_right_arithmetic3A_51, %and3A_53, %dma_start3A_65, %dma_start3A_66] : memref<6x2x8x128xi32, #tpu.memory_space<hbm>> -> memref<1x1x8x128xi32, #tpu.memory_space<hbm>>
        %dma_start3A_68 = tpu.memref_squeeze %dma_start3A_67 : memref<1x1x8x128xi32, #tpu.memory_space<hbm>> -> memref<8x128xi32, #tpu.memory_space<hbm>>
        tpu.enqueue_dma source(%dma_start3A_68 : memref<8x128xi32, #tpu.memory_space<hbm>>) target(%arg6 : memref<8x128xi32, #tpu.memory_space<vmem>>) target_semaphore(%run_scoped3A : memref<!tpu.dma_semaphore, #tpu.memory_space<semaphore_mem>>)
        %dma_wait3A_69 = arith.constant 0 : i32
        %dma_wait3A_70 = arith.constant 0 : i32
        %dma_wait3A_71 = tpu.memref_slice %arg2[%shift_right_arithmetic3A_51, %and3A_53, %dma_wait3A_69, %dma_wait3A_70] : memref<6x2x8x128xi32, #tpu.memory_space<hbm>> -> memref<1x1x8x128xi32, #tpu.memory_space<hbm>>
        %dma_wait3A_72 = tpu.memref_squeeze %dma_wait3A_71 : memref<1x1x8x128xi32, #tpu.memory_space<hbm>> -> memref<8x128xi32, #tpu.memory_space<hbm>>
        %dma_wait3A_73 = arith.constant 0 : i32
        %dma_wait3A_74 = arith.constant 0 : i32
        %dma_wait3A_75 = tpu.memref_slice %arg2[%shift_right_arithmetic3A_51, %and3A_53, %dma_wait3A_73, %dma_wait3A_74] : memref<6x2x8x128xi32, #tpu.memory_space<hbm>> -> memref<1x1x8x128xi32, #tpu.memory_space<hbm>>
        %dma_wait3A_76 = tpu.memref_squeeze %dma_wait3A_75 : memref<1x1x8x128xi32, #tpu.memory_space<hbm>> -> memref<8x128xi32, #tpu.memory_space<hbm>>
        tpu.wait_dma2 semaphore(%run_scoped3A : memref<!tpu.dma_semaphore, #tpu.memory_space<semaphore_mem>>) src(%dma_wait3A_76 : memref<8x128xi32, #tpu.memory_space<hbm>>) dst(%arg6 : memref<8x128xi32, #tpu.memory_space<vmem>>)
        tpu.yield
      }) : () -> ()
      %scan3A_54 = arith.constant 0 : i32
      %scan3A_55 = arith.constant 0 : i32
      %scan3A_56 = arith.constant 8 : i32
      %scan3A_57 = arith.addi %scan3A_55, %scan3A_56 : i32
      %scan3A_58 = arith.constant 1 : i32
      %scan3A_59 = scf.for %scan3A_61 = %scan3A_55 to %scan3A_57 step %scan3A_58 iter_args(%scan3A_62 = %scan3A_54) -> (i32)  : i32 {
        %mul3A_63 = arith.constant 16 : i32
        %mul3A_64 = arith.muli %scan3A_61, %mul3A_63 : i32
        %get3A = arith.constant 0 : i32
        %get3A_65 = arith.index_cast %get3A : i32 to index
        %get3A_66 = arith.index_cast %mul3A_64 : i32 to index
        %get3A_67 = tpu.vector_load %arg6[%get3A_65, %get3A_66] {strides = array<i32>} : memref<8x128xi32, #tpu.memory_space<vmem>>, vector<16xi32>,
        %get3A_68 = arith.constant 1 : i32
        %get3A_69 = arith.index_cast %get3A_68 : i32 to index
        %get3A_70 = arith.index_cast %mul3A_64 : i32 to index
        %get3A_71 = tpu.vector_load %arg6[%get3A_69, %get3A_70] {strides = array<i32>} : memref<8x128xi32, #tpu.memory_space<vmem>>, vector<16xi32>,
        %add3A_72 = arith.addi %get3A_67, %get3A_71 : vector<16xi32>
        %get3A_73 = arith.constant 2 : i32
        %get3A_74 = arith.index_cast %get3A_73 : i32 to index
        %get3A_75 = arith.index_cast %mul3A_64 : i32 to index
        %get3A_76 = tpu.vector_load %arg6[%get3A_74, %get3A_75] {strides = array<i32>} : memref<8x128xi32, #tpu.memory_space<vmem>>, vector<16xi32>,
        %add3A_77 = arith.addi %add3A_72, %get3A_76 : vector<16xi32>
        %get3A_78 = arith.constant 3 : i32
        %get3A_79 = arith.index_cast %get3A_78 : i32 to index
        %get3A_80 = arith.index_cast %mul3A_64 : i32 to index
        %get3A_81 = tpu.vector_load %arg6[%get3A_79, %get3A_80] {strides = array<i32>} : memref<8x128xi32, #tpu.memory_space<vmem>>, vector<16xi32>,
        %add3A_82 = arith.addi %add3A_77, %get3A_81 : vector<16xi32>
        %get3A_83 = arith.constant 4 : i32
        %get3A_84 = arith.index_cast %get3A_83 : i32 to index
        %get3A_85 = arith.index_cast %mul3A_64 : i32 to index
        %get3A_86 = tpu.vector_load %arg6[%get3A_84, %get3A_85] {strides = array<i32>} : memref<8x128xi32, #tpu.memory_space<vmem>>, vector<16xi32>,
        %add3A_87 = arith.addi %add3A_82, %get3A_86 : vector<16xi32>
        %get3A_88 = arith.constant 5 : i32
        %get3A_89 = arith.index_cast %get3A_88 : i32 to index
        %get3A_90 = arith.index_cast %mul3A_64 : i32 to index
        %get3A_91 = tpu.vector_load %arg6[%get3A_89, %get3A_90] {strides = array<i32>} : memref<8x128xi32, #tpu.memory_space<vmem>>, vector<16xi32>,
        %add3A_92 = arith.addi %add3A_87, %get3A_91 : vector<16xi32>
        %get3A_93 = arith.constant 6 : i32
        %get3A_94 = arith.index_cast %get3A_93 : i32 to index
        %get3A_95 = arith.index_cast %mul3A_64 : i32 to index
        %get3A_96 = tpu.vector_load %arg6[%get3A_94, %get3A_95] {strides = array<i32>} : memref<8x128xi32, #tpu.memory_space<vmem>>, vector<16xi32>,
        %add3A_97 = arith.addi %add3A_92, %get3A_96 : vector<16xi32>
        %get3A_98 = arith.constant 7 : i32
        %get3A_99 = arith.index_cast %get3A_98 : i32 to index
        %get3A_100 = arith.index_cast %mul3A_64 : i32 to index
        %get3A_101 = tpu.vector_load %arg6[%get3A_99, %get3A_100] {strides = array<i32>} : memref<8x128xi32, #tpu.memory_space<vmem>>, vector<16xi32>,
        %add3A_102 = arith.addi %add3A_97, %get3A_101 : vector<16xi32>
        %swap3A_103 = arith.index_cast %mul3A_64 : i32 to index
        %swap3A_104 = tpu.vector_load %arg8[%swap3A_103] {strides = array<i32>} : memref<128xi32, #tpu.memory_space<vmem>>, vector<16xi32>,
        tpu.vector_store %arg8[%swap3A_103], %add3A_102 {strides = array<i32>} : memref<128xi32, #tpu.memory_space<vmem>>, vector<16xi32>,
        %scan3A_105 = arith.constant 0 : i32
        scf.yield %scan3A_105 : i32
      }
      %scan3A_60 = arith.constant 8 : i32
      "tpu.region"() ({
        %run_scoped3A = tpu.sem_alloc : memref<!tpu.dma_semaphore, #tpu.memory_space<semaphore_mem>>
        %dma_start3A_61 = arith.constant 0 : i32
        %dma_start3A_62 = tpu.memref_slice %arg13[%arg1, %dma_start3A_61] : memref<12x128xi32, #tpu.memory_space<vmem_shared>> -> memref<1x128xi32, #tpu.memory_space<vmem_shared>>
        %dma_start3A_63 = tpu.memref_squeeze %dma_start3A_62 : memref<1x128xi32, #tpu.memory_space<vmem_shared>> -> memref<128xi32, #tpu.memory_space<vmem_shared>>
        %dma_start3A_64 = arith.constant 0 : i32
        %dma_start3A_65 = tpu.memref_slice %arg13[%arg1, %dma_start3A_64] : memref<12x128xi32, #tpu.memory_space<vmem_shared>> -> memref<1x128xi32, #tpu.memory_space<vmem_shared>>
        %dma_start3A_66 = tpu.memref_squeeze %dma_start3A_65 : memref<1x128xi32, #tpu.memory_space<vmem_shared>> -> memref<128xi32, #tpu.memory_space<vmem_shared>>
        tpu.enqueue_dma source(%arg8 : memref<128xi32, #tpu.memory_space<vmem>>) target(%dma_start3A_66 : memref<128xi32, #tpu.memory_space<vmem_shared>>) target_semaphore(%run_scoped3A : memref<!tpu.dma_semaphore, #tpu.memory_space<semaphore_mem>>)
        %dma_wait3A_67 = arith.constant 0 : i32
        %dma_wait3A_68 = tpu.memref_slice %arg13[%arg1, %dma_wait3A_67] : memref<12x128xi32, #tpu.memory_space<vmem_shared>> -> memref<1x128xi32, #tpu.memory_space<vmem_shared>>
        %dma_wait3A_69 = tpu.memref_squeeze %dma_wait3A_68 : memref<1x128xi32, #tpu.memory_space<vmem_shared>> -> memref<128xi32, #tpu.memory_space<vmem_shared>>
        %dma_wait3A_70 = arith.constant 0 : i32
        %dma_wait3A_71 = tpu.memref_slice %arg13[%arg1, %dma_wait3A_70] : memref<12x128xi32, #tpu.memory_space<vmem_shared>> -> memref<1x128xi32, #tpu.memory_space<vmem_shared>>
        %dma_wait3A_72 = tpu.memref_squeeze %dma_wait3A_71 : memref<1x128xi32, #tpu.memory_space<vmem_shared>> -> memref<128xi32, #tpu.memory_space<vmem_shared>>
        tpu.wait_dma2 semaphore(%run_scoped3A : memref<!tpu.dma_semaphore, #tpu.memory_space<semaphore_mem>>) src(%arg8 : memref<128xi32, #tpu.memory_space<vmem>>) dst(%dma_wait3A_72 : memref<128xi32, #tpu.memory_space<vmem_shared>>)
        tpu.yield
      }) : () -> ()
    } else {
    }
    %barrier3A = arith.constant 0 : index
    tpu.barrier barrier_id(%barrier3A)
    "tpu.region"() ({
      %run_scoped3A = tpu.sem_alloc : memref<!tpu.dma_semaphore, #tpu.memory_space<semaphore_mem>>
      tpu.enqueue_dma source(%arg13 : memref<12x128xi32, #tpu.memory_space<vmem_shared>>) target(%arg9 : memref<12x128xi32, #tpu.memory_space<vmem>>) target_semaphore(%run_scoped3A : memref<!tpu.dma_semaphore, #tpu.memory_space<semaphore_mem>>)
      tpu.wait_dma2 semaphore(%run_scoped3A : memref<!tpu.dma_semaphore, #tpu.memory_space<semaphore_mem>>) src(%arg13 : memref<12x128xi32, #tpu.memory_space<vmem_shared>>) dst(%arg9 : memref<12x128xi32, #tpu.memory_space<vmem>>)
      tpu.yield
    }) : () -> ()
    %scan3A = arith.constant 0 : i32
    %scan3A_4 = arith.constant 0 : i32
    %scan3A_5 = arith.constant 16 : i32
    %scan3A_6 = arith.addi %scan3A_4, %scan3A_5 : i32
    %scan3A_7 = arith.constant 1 : i32
    %scan3A_8 = scf.for %scan3A_50 = %scan3A_4 to %scan3A_6 step %scan3A_7 iter_args(%scan3A_51 = %scan3A) -> (i32)  : i32 {
      %shift_right_arithmetic3A_52 = arith.constant 3 : i32
      %shift_right_arithmetic3A_53 = arith.shrsi %scan3A_50, %shift_right_arithmetic3A_52 : i32
      %and3A_54 = arith.constant 7 : i32
      %and3A_55 = arith.andi %scan3A_50, %and3A_54 : i32
      %mul3A_56 = arith.constant 16 : i32
      %mul3A_57 = arith.muli %and3A_55, %mul3A_56 : i32
      %get3A = arith.index_cast %shift_right_arithmetic3A_53 : i32 to index
      %get3A_58 = arith.index_cast %mul3A_57 : i32 to index
      %get3A_59 = tpu.vector_load %arg9[%get3A, %get3A_58] {strides = array<i32>} : memref<12x128xi32, #tpu.memory_space<vmem>>, vector<16xi32>,
      %add3A_60 = arith.constant 2 : i32
      %add3A_61 = arith.addi %add3A_60, %shift_right_arithmetic3A_53 : i32
      %get3A_62 = arith.index_cast %add3A_61 : i32 to index
      %get3A_63 = arith.index_cast %mul3A_57 : i32 to index
      %get3A_64 = tpu.vector_load %arg9[%get3A_62, %get3A_63] {strides = array<i32>} : memref<12x128xi32, #tpu.memory_space<vmem>>, vector<16xi32>,
      %add3A_65 = arith.addi %get3A_59, %get3A_64 : vector<16xi32>
      %add3A_66 = arith.constant 4 : i32
      %add3A_67 = arith.addi %add3A_66, %shift_right_arithmetic3A_53 : i32
      %get3A_68 = arith.index_cast %add3A_67 : i32 to index
      %get3A_69 = arith.index_cast %mul3A_57 : i32 to index
      %get3A_70 = tpu.vector_load %arg9[%get3A_68, %get3A_69] {strides = array<i32>} : memref<12x128xi32, #tpu.memory_space<vmem>>, vector<16xi32>,
      %add3A_71 = arith.addi %add3A_65, %get3A_70 : vector<16xi32>
      %add3A_72 = arith.constant 6 : i32
      %add3A_73 = arith.addi %add3A_72, %shift_right_arithmetic3A_53 : i32
      %get3A_74 = arith.index_cast %add3A_73 : i32 to index
      %get3A_75 = arith.index_cast %mul3A_57 : i32 to index
      %get3A_76 = tpu.vector_load %arg9[%get3A_74, %get3A_75] {strides = array<i32>} : memref<12x128xi32, #tpu.memory_space<vmem>>, vector<16xi32>,
      %add3A_77 = arith.addi %add3A_71, %get3A_76 : vector<16xi32>
      %add3A_78 = arith.constant 8 : i32
      %add3A_79 = arith.addi %add3A_78, %shift_right_arithmetic3A_53 : i32
      %get3A_80 = arith.index_cast %add3A_79 : i32 to index
      %get3A_81 = arith.index_cast %mul3A_57 : i32 to index
      %get3A_82 = tpu.vector_load %arg9[%get3A_80, %get3A_81] {strides = array<i32>} : memref<12x128xi32, #tpu.memory_space<vmem>>, vector<16xi32>,
      %add3A_83 = arith.addi %add3A_77, %get3A_82 : vector<16xi32>
      %add3A_84 = arith.constant 10 : i32
      %add3A_85 = arith.addi %add3A_84, %shift_right_arithmetic3A_53 : i32
      %get3A_86 = arith.index_cast %add3A_85 : i32 to index
      %get3A_87 = arith.index_cast %mul3A_57 : i32 to index
      %get3A_88 = tpu.vector_load %arg9[%get3A_86, %get3A_87] {strides = array<i32>} : memref<12x128xi32, #tpu.memory_space<vmem>>, vector<16xi32>,
      %add3A_89 = arith.addi %add3A_83, %get3A_88 : vector<16xi32>
      %min3A = arith.constant 64 : i32
      %min3A_90 = vector.broadcast %min3A : i32 to vector<16xi32>
      %min3A_91 = arith.minsi %add3A_89, %min3A_90 : vector<16xi32>
      %mul3A_92 = arith.constant 16 : i32
      %mul3A_93 = arith.muli %scan3A_50, %mul3A_92 : i32
      %swap3A_94 = arith.index_cast %mul3A_93 : i32 to index
      %swap3A_95 = tpu.vector_load %arg10[%swap3A_94] {strides = array<i32>} : memref<256xi32, #tpu.memory_space<vmem>>, vector<16xi32>,
      tpu.vector_store %arg10[%swap3A_94], %min3A_91 {strides = array<i32>} : memref<256xi32, #tpu.memory_space<vmem>>, vector<16xi32>,
      %scan3A_96 = arith.constant 0 : i32
      scf.yield %scan3A_96 : i32
    }
    %scan3A_9 = arith.constant 16 : i32
    %mul3A_10 = arith.constant 16 : i32
    %mul3A_11 = arith.muli %arg1, %mul3A_10 : i32
    %multiple_of3A_12 = tpu.assume_multiple %mul3A_11, 16 : i32
    %dma_wait3A = tpu.memref_slice %arg3[%multiple_of3A] : memref<3584xi32, #tpu.memory_space<hbm>> -> memref<224xi32, #tpu.memory_space<hbm>>
    %dma_wait3A_13 = tpu.memref_slice %arg3[%multiple_of3A] : memref<3584xi32, #tpu.memory_space<hbm>> -> memref<224xi32, #tpu.memory_space<hbm>>
    tpu.wait_dma2 semaphore(%arg15 : memref<!tpu.dma_semaphore, #tpu.memory_space<semaphore_mem>>) src(%dma_wait3A_13 : memref<224xi32, #tpu.memory_space<hbm>>) dst(%arg7 : memref<224xi32, #tpu.memory_space<vmem>>)
    %iota3A = tpu.iota {dimensions = array<i32: 0>} : vector<16xi32>
    %mul3A_14 = arith.constant 14 : i32
    %mul3A_15 = vector.broadcast %mul3A_14 : i32 to vector<16xi32>
    %mul3A_16 = arith.muli %iota3A, %mul3A_15 : vector<16xi32>
    %broadcast_in_dim3A = arith.constant 0 : i32
    %broadcast_in_dim3A_17 = vector.broadcast %broadcast_in_dim3A : i32 to vector<16xi32>
    %scan3A_18 = arith.constant 0 : i32
    %scan3A_19 = arith.constant 14 : i32
    %scan3A_20 = arith.addi %scan3A_18, %scan3A_19 : i32
    %scan3A_21 = arith.constant 1 : i32
    %scan3A_22 = scf.for %scan3A_50 = %scan3A_18 to %scan3A_20 step %scan3A_21 iter_args(%scan3A_51 = %broadcast_in_dim3A_17) -> (vector<16xi32>)  : i32 {
      %add3A_52 = vector.broadcast %scan3A_50 : i32 to vector<16xi32>
      %add3A_53 = arith.addi %mul3A_16, %add3A_52 : vector<16xi32>
      %gather3A = tpu.vector_load_idx %arg7[%add3A_53] : memref<224xi32, #tpu.memory_space<vmem>>[vector<16xi32>], vector<16xi32>,
      %jit3A = arith.constant 7 : i32
      %div3A = vector.broadcast %jit3A : i32 to vector<16xi32>
      %div3A_54 = arith.divsi %gather3A, %div3A : vector<16xi32>
      %sign3A = arith.constant 0 : i32
      %sign3A_55 = vector.broadcast %sign3A : i32 to vector<16xi32>
      %sign3A_56 = arith.cmpi sgt, %gather3A, %sign3A_55 : vector<16xi32>
      %sign3A_57 = arith.extui %sign3A_56 : vector<16xi1> to vector<16xi32>
      %sign3A_58 = arith.constant 0 : i32
      %sign3A_59 = vector.broadcast %sign3A_58 : i32 to vector<16xi32>
      %sign3A_60 = arith.cmpi slt, %gather3A, %sign3A_59 : vector<16xi32>
      %sign3A_61 = arith.extui %sign3A_60 : vector<16xi1> to vector<16xi32>
      %sign3A_62 = arith.subi %sign3A_57, %sign3A_61 : vector<16xi32>
      %sign3A_63 = arith.constant 0 : i32
      %sign3A_64 = arith.cmpi sgt, %jit3A, %sign3A_63 : i32
      %sign3A_65 = arith.extui %sign3A_64 : i1 to i32
      %sign3A_66 = arith.constant 0 : i32
      %sign3A_67 = arith.cmpi slt, %jit3A, %sign3A_66 : i32
      %sign3A_68 = arith.extui %sign3A_67 : i1 to i32
      %sign3A_69 = arith.subi %sign3A_65, %sign3A_68 : i32
      %ne3A = vector.broadcast %sign3A_69 : i32 to vector<16xi32>
      %ne3A_70 = arith.cmpi ne, %sign3A_62, %ne3A : vector<16xi32>
      %rem3A = vector.broadcast %jit3A : i32 to vector<16xi32>
      %rem3A_71 = arith.remsi %gather3A, %rem3A : vector<16xi32>
      %ne3A_72 = arith.constant 0 : i32
      %ne3A_73 = vector.broadcast %ne3A_72 : i32 to vector<16xi32>
      %ne3A_74 = arith.cmpi ne, %rem3A_71, %ne3A_73 : vector<16xi32>
      %and3A_75 = arith.andi %ne3A_70, %ne3A_74 : vector<16xi1>
      %sub3A = arith.constant 1 : i32
      %sub3A_76 = vector.broadcast %sub3A : i32 to vector<16xi32>
      %sub3A_77 = arith.subi %div3A_54, %sub3A_76 : vector<16xi32>
      %select_n3A = arith.select %and3A_75, %sub3A_77, %div3A_54 : vector<16xi1>, vector<16xi32>
      %min3A = arith.constant 255 : i32
      %min3A_78 = vector.broadcast %min3A : i32 to vector<16xi32>
      %min3A_79 = arith.minsi %select_n3A, %min3A_78 : vector<16xi32>
      %jit3A_80 = arith.constant 7 : i32
      %eq3A = arith.constant 0 : i32
      %eq3A_81 = arith.cmpi eq, %jit3A_80, %eq3A : i32
      %jit3A_82 = arith.constant 1 : i32
      %select_n3A_83 = arith.select %eq3A_81, %jit3A_82, %jit3A_80 : i32
      %rem3A_84 = vector.broadcast %select_n3A_83 : i32 to vector<16xi32>
      %rem3A_85 = arith.remsi %gather3A, %rem3A_84 : vector<16xi32>
      %ne3A_86 = arith.constant 0 : i32
      %ne3A_87 = vector.broadcast %ne3A_86 : i32 to vector<16xi32>
      %ne3A_88 = arith.cmpi ne, %rem3A_85, %ne3A_87 : vector<16xi32>
      %lt3A_89 = arith.constant 0 : i32
      %lt3A_90 = vector.broadcast %lt3A_89 : i32 to vector<16xi32>
      %lt3A_91 = arith.cmpi slt, %rem3A_85, %lt3A_90 : vector<16xi32>
      %lt3A_92 = arith.constant 0 : i32
      %lt3A_93 = arith.cmpi slt, %select_n3A_83, %lt3A_92 : i32
      %ne3A_94 = vector.broadcast %lt3A_93 : i1 to vector<16xi1>
      %ne3A_95 = vector.broadcast %ne3A_94 : vector<16xi1> to vector<16xi1>
      %ne3A_96 = arith.xori %lt3A_91, %ne3A_95 : vector<16xi1>
      %and3A_97 = arith.andi %ne3A_96, %ne3A_88 : vector<16xi1>
      %add3A_98 = vector.broadcast %select_n3A_83 : i32 to vector<16xi32>
      %add3A_99 = arith.addi %rem3A_85, %add3A_98 : vector<16xi32>
      %select_n3A_100 = arith.select %and3A_97, %add3A_99, %rem3A_85 : vector<16xi1>, vector<16xi32>
      %gather3A_101 = tpu.vector_load_idx %arg10[%min3A_79] : memref<256xi32, #tpu.memory_space<vmem>>[vector<16xi32>], vector<16xi32>,
      %sub3A_102 = arith.constant 6 : i32
      %sub3A_103 = vector.broadcast %sub3A_102 : i32 to vector<16xi32>
      %sub3A_104 = arith.subi %sub3A_103, %select_n3A_100 : vector<16xi32>
      %shift_right_arithmetic3A_105 = arith.shrsi %gather3A_101, %sub3A_104 : vector<16xi32>
      %and3A_106 = arith.constant 1 : i32
      %and3A_107 = vector.broadcast %and3A_106 : i32 to vector<16xi32>
      %and3A_108 = arith.andi %shift_right_arithmetic3A_105, %and3A_107 : vector<16xi32>
      %sub3A_109 = arith.constant 1792 : i32
      %sub3A_110 = vector.broadcast %sub3A_109 : i32 to vector<16xi32>
      %sub3A_111 = arith.subi %gather3A, %sub3A_110 : vector<16xi32>
      %jit3A_112 = arith.constant 0 : i32
      %jit3A_113 = arith.constant 6 : i32
      %max3A = vector.broadcast %jit3A_112 : i32 to vector<16xi32>
      %max3A_114 = arith.maxsi %max3A, %sub3A_111 : vector<16xi32>
      %min3A_115 = vector.broadcast %jit3A_113 : i32 to vector<16xi32>
      %min3A_116 = arith.minsi %min3A_115, %max3A_114 : vector<16xi32>
      %broadcast_in_dim3A_117 = arith.constant 48 : i32
      %broadcast_in_dim3A_118 = vector.broadcast %broadcast_in_dim3A_117 : i32 to vector<16xi32>
      %sub3A_119 = arith.constant 6 : i32
      %sub3A_120 = vector.broadcast %sub3A_119 : i32 to vector<16xi32>
      %sub3A_121 = arith.subi %sub3A_120, %min3A_116 : vector<16xi32>
      %shift_right_arithmetic3A_122 = arith.shrsi %broadcast_in_dim3A_118, %sub3A_121 : vector<16xi32>
      %and3A_123 = arith.constant 1 : i32
      %and3A_124 = vector.broadcast %and3A_123 : i32 to vector<16xi32>
      %and3A_125 = arith.andi %shift_right_arithmetic3A_122, %and3A_124 : vector<16xi32>
      %lt3A_126 = arith.constant 1792 : i32
      %lt3A_127 = vector.broadcast %lt3A_126 : i32 to vector<16xi32>
      %lt3A_128 = arith.cmpi slt, %gather3A, %lt3A_127 : vector<16xi32>
      %select_n3A_129 = arith.select %lt3A_128, %and3A_108, %and3A_125 : vector<16xi1>, vector<16xi32>
      %shift_left3A_130 = arith.constant 1 : i32
      %shift_left3A_131 = vector.broadcast %shift_left3A_130 : i32 to vector<16xi32>
      %shift_left3A_132 = arith.shli %scan3A_51, %shift_left3A_131 : vector<16xi32>
      %or3A_133 = arith.ori %shift_left3A_132, %select_n3A_129 : vector<16xi32>
      scf.yield %or3A_133 : vector<16xi32>
    }
    %scan3A_23 = arith.constant 14 : i32
    %add3A = vector.broadcast %multiple_of3A_12 : i32 to vector<16xi32>
    %add3A_24 = arith.addi %add3A, %iota3A : vector<16xi32>
    %shift_right_arithmetic3A = arith.constant 3 : i32
    %shift_right_arithmetic3A_25 = vector.broadcast %shift_right_arithmetic3A : i32 to vector<16xi32>
    %shift_right_arithmetic3A_26 = arith.shrsi %add3A_24, %shift_right_arithmetic3A_25 : vector<16xi32>
    %mul3A_27 = arith.constant 128 : i32
    %mul3A_28 = vector.broadcast %mul3A_27 : i32 to vector<16xi32>
    %mul3A_29 = arith.muli %shift_right_arithmetic3A_26, %mul3A_28 : vector<16xi32>
    %shift_right_arithmetic3A_30 = arith.constant 7 : i32
    %shift_right_arithmetic3A_31 = vector.broadcast %shift_right_arithmetic3A_30 : i32 to vector<16xi32>
    %shift_right_arithmetic3A_32 = arith.shrsi %scan3A_22, %shift_right_arithmetic3A_31 : vector<16xi32>
    %add3A_33 = arith.addi %mul3A_29, %shift_right_arithmetic3A_32 : vector<16xi32>
    %shift_left3A = arith.constant 10 : i32
    %shift_left3A_34 = vector.broadcast %shift_left3A : i32 to vector<16xi32>
    %shift_left3A_35 = arith.shli %add3A_33, %shift_left3A_34 : vector<16xi32>
    %and3A = arith.constant 7 : i32
    %and3A_36 = vector.broadcast %and3A : i32 to vector<16xi32>
    %and3A_37 = arith.andi %add3A_24, %and3A_36 : vector<16xi32>
    %shift_left3A_38 = arith.constant 7 : i32
    %shift_left3A_39 = vector.broadcast %shift_left3A_38 : i32 to vector<16xi32>
    %shift_left3A_40 = arith.shli %and3A_37, %shift_left3A_39 : vector<16xi32>
    %or3A = arith.ori %shift_left3A_35, %shift_left3A_40 : vector<16xi32>
    %and3A_41 = arith.constant 127 : i32
    %and3A_42 = vector.broadcast %and3A_41 : i32 to vector<16xi32>
    %and3A_43 = arith.andi %scan3A_22, %and3A_42 : vector<16xi32>
    %or3A_44 = arith.ori %or3A, %and3A_43 : vector<16xi32>
    %swap3A = arith.constant 0 : index
    %swap3A_45 = tpu.vector_load %arg11[%swap3A] {strides = array<i32>} : memref<16xi32, #tpu.memory_space<vmem>>, vector<16xi32>,
    tpu.vector_store %arg11[%swap3A], %or3A_44 {strides = array<i32>} : memref<16xi32, #tpu.memory_space<vmem>>, vector<16xi32>,
    %dma_start3A_46 = arith.constant 0 : i32
    %dma_start3A_47 = tpu.memref_slice %arg4[%dma_start3A_46] : memref<4194304xf32, #tpu.memory_space<hbm>> -> memref<4194304xf32, #tpu.memory_space<hbm>>
    tpu.enqueue_indirect_dma source(%dma_start3A_47 : memref<4194304xf32, #tpu.memory_space<hbm>>) target(%arg12 : memref<16xf32, #tpu.memory_space<vmem>>) offsets(%arg11 : memref<16xi32, #tpu.memory_space<vmem>>) semaphore(%arg14 : memref<!tpu.dma_semaphore, #tpu.memory_space<semaphore_mem>>)
    %dma_wait3A_48 = arith.constant 0 : i32
    %dma_wait3A_49 = tpu.memref_slice %arg4[%dma_wait3A_48] : memref<4194304xf32, #tpu.memory_space<hbm>> -> memref<4194304xf32, #tpu.memory_space<hbm>>
    tpu.wait_indirect_dma semaphore(%arg14 : memref<!tpu.dma_semaphore, #tpu.memory_space<semaphore_mem>>) src(%dma_wait3A_49 : memref<4194304xf32, #tpu.memory_space<hbm>>) dst(%arg12 : memref<16xf32, #tpu.memory_space<vmem>>)
    "tpu.region"() ({
      %run_scoped3A = tpu.sem_alloc : memref<!tpu.dma_semaphore, #tpu.memory_space<semaphore_mem>>
      %dma_start3A_50 = tpu.memref_slice %arg5[%multiple_of3A_12] : memref<256xf32, #tpu.memory_space<hbm>> -> memref<16xf32, #tpu.memory_space<hbm>>
      %dma_start3A_51 = tpu.memref_slice %arg5[%multiple_of3A_12] : memref<256xf32, #tpu.memory_space<hbm>> -> memref<16xf32, #tpu.memory_space<hbm>>
      tpu.enqueue_dma source(%arg12 : memref<16xf32, #tpu.memory_space<vmem>>) target(%dma_start3A_51 : memref<16xf32, #tpu.memory_space<hbm>>) target_semaphore(%run_scoped3A : memref<!tpu.dma_semaphore, #tpu.memory_space<semaphore_mem>>)
      %dma_wait3A_52 = tpu.memref_slice %arg5[%multiple_of3A_12] : memref<256xf32, #tpu.memory_space<hbm>> -> memref<16xf32, #tpu.memory_space<hbm>>
      %dma_wait3A_53 = tpu.memref_slice %arg5[%multiple_of3A_12] : memref<256xf32, #tpu.memory_space<hbm>> -> memref<16xf32, #tpu.memory_space<hbm>>
      tpu.wait_dma2 semaphore(%run_scoped3A : memref<!tpu.dma_semaphore, #tpu.memory_space<semaphore_mem>>) src(%arg12 : memref<16xf32, #tpu.memory_space<vmem>>) dst(%dma_wait3A_53 : memref<16xf32, #tpu.memory_space<hbm>>)
      tpu.yield
    }) : () -> ()
    return
  }
}

</mosaic_0001>

<sc_bundles>
// kernel: kernel.3.cloned.1.call-start
scs
__scs_entry_jumppad:
0x0: {  	(pc) =	sbr.rel $0x88, $3  }
0x1: {  	(tag) =	ssettag $0x0;
	lr =	simm.s32 $0x1  }
0x2: {  	[smem:$0x3F9E] =	sst lr;
	_ =	strace $0xD0000000  }
0x3: {  	_ = 	snop  }
0x4: {  	_ = 	snop  }
0x5: {  	_ = 	snop  }
0x6: {  	_ = 	snop  }
0x7: {  	_ = 	snop  }
__scs_overlays_trampoline_lowered:
0x8: {  	[smem:$0x3FAD] =	sst s0  }
0x9: {  	[smem:$0x3FAE] =	sst s1  }
0xa: {  	[smem:$0x3FAF] =	sst s2  }
0xb: {  	[smem:$0x3FB0] =	sst s3  }
0xc: {  	[smem:$0x3FB1] =	sst s4  }
0xd: {  	[smem:$0x3FB2] =	sst s5  }
0xe: {  	[smem:$0x3FB3] =	sst s6  }
0xf: {  	[smem:$0x3FB4] =	sst s7  }
0x10: {  	[smem:$0x3FB5] =	sst s8  }
0x11: {  	[smem:$0x3FB6] =	sst s9;
	s0 =	simm.s32 @!p0 $0x0  }
0x12: {  	s1 =	sld [smem:$0x3F9C];
	s0 =	simm.s32 @p0 $0x1  }
0x13: {  	[smem:$0x3FB7] =	sst s0;
	s0 =	simm.s32 @!p1 $0x0  }
0x14: {  	s2 =	sld [smem:$0x3F9B];
	s0 =	simm.s32 @p1 $0x1  }
0x15: {  	[smem:$0x3FB8] =	sst s0;
	s0 =	simm.s32 @!p2 $0x0  }
0x16: {  	s3 =	sld [smem:$0x3FDB];
	s0 =	simm.s32 @p2 $0x1  }
0x17: {  	s4 =	simm.s32 $0x1BF5;
	[smem:$0x3FBA] =	sst s0  }
0x18: {  	s0 =	sld [smem:$0x3F9D];
	_ =	swait.ge [sflag:s4], $0x0  }
0x19: {  	s7 =	sld [smem:$0x3F9E]  }
0x1a: {  	s8 =	sadd.s32 $0xFFFFE003, lr  }
0x1b: {  	s9 =	sadd.s32 $0xFFFFFEF7, lr;
	s5 =	simm.s32 $0xFFFFFFFF;
	p2 =	slt.u32 s8, $0xFFFFF086  }
0x1c: {  	p1 =	slt.u32 s9, $0xF7A;
	s5 =	simm.s32 @!p2 $0x0  }
0x1d: {  	s5 =	simm.s32 @p1 $0x1;
	p0 =	seq.s32 s7, s2  }
0x1e: {  	s7 =	smul.u32 @!p0 $0xF7A, s2;
	p2 =	seq.s32 @!p0 s5, $0x0  }
0x1f: {  	s9 =	smul.u32 $0xF7A, s1;
	s8 =	simm.s32 @!p0 $0x1BF5;
	p2 =	por !p2, p0  }
0x20: {  	[sflag:s8] =	ssyncset.s32 @!p0 $0xFFFFF086;
	s6 =	sadd.s32 @!p0 s3, s7;
	s7 =	simm.s32 @!p0 $0x108  }
0x21: {  	s3 =	sadd.s32 s3, s9;
	s6 =	sadd.s32 @!p0 $0x88, s6;
	s7 =	simm.s32 @p2 $0x1082  }
0x22: {  	[simem:s7], [sflag:s8] =	dma.local @!p0 [hbm:s6], $0xF7A  }
0x23: {  	s9 =	sor.u32 $0xD0000000, s2;
	s6 =	simm.s32 $0x108;
	_ =	swait.ge @!p0 [sflag:s8], $0x0  }
0x24: {  	s3 =	sadd.s32 $0x88, s3;
	s6 =	simm.s32 @!p1 $0x1082;
	[sflag:s4] =	ssyncset.s32 $0xFFFFF086  }
0x25: {  	[simem:s6], [sflag:s4] =	dma.local [hbm:s3], $0xF7A  }
0x26: {  	[smem:$0x3F9E] =	sst s1;
	(tag) =	ssettag s2;
	_ =	strace s9  }
0x27: {  	s1 =	sld [smem:$0x3FAE]  }
0x28: {  	s2 =	sld [smem:$0x3FAF]  }
0x29: {  	s4 =	sld [smem:$0x3FB1]  }
0x2a: {  	p0 =	seq.s32 s5, $0x0;
	s5 =	sld [smem:$0x3FB2]  }
0x2b: {  	s6 =	sld [smem:$0x3FB3]  }
0x2c: {  	s7 =	sld [smem:$0x3FB4]  }
0x2d: {  	s3 =	simm.s32 $0x108;
	s8 =	sld [smem:$0x3FB5]  }
0x2e: {  	s3 =	simm.s32 @!p0 $0x1082;
	s9 =	sld [smem:$0x3FB6]  }
0x2f: {  	lr =	sadd.s32 s0, s3;
	s0 =	sld [smem:$0x3FAD]  }
0x30: {  	s3 =	sld [smem:$0x3FB0]  }
0x31: {  	[smem:$0x3FB9] =	sst s10  }
0x32: {  	s10 =	sld [smem:$0x3FB7];
	_ =	sdelay $0x3  }
0x33: {  	p0 =	seq.s32 s10, $0x1;
	s10 =	sld [smem:$0x3FB9];
	_ =	sdelay $0x3  }
0x34: {  	[smem:$0x3FB9] =	sst s10  }
0x35: {  	s10 =	sld [smem:$0x3FB8];
	_ =	sdelay $0x3  }
0x36: {  	p1 =	seq.s32 s10, $0x1;
	s10 =	sld [smem:$0x3FB9];
	_ =	sdelay $0x3  }
0x37: {  	[smem:$0x3FB9] =	sst s10  }
0x38: {  	s10 =	sld [smem:$0x3FBA]  }
0x39: {  	_ = 	snop;
	(pc) =	sbr.ind lr, $3  }
0x3a: {  	_ = 	snop  }
0x3b: {  	_ = 	snop  }
0x3c: {  	p2 =	seq.s32 s10, $0x1;
	s10 =	sld [smem:$0x3FB9]  }
0x3d: {  	_ =	shalt  }
0x3e: {  	_ =	shalt  }
0x3f: {  	_ =	shalt  }
0x40: {  	_ =	shalt  }
0x41: {  	_ =	shalt  }
0x42: {  	_ =	shalt  }
0x43: {  	_ =	shalt  }
0x44: {  	_ =	shalt  }
0x45: {  	_ =	shalt  }
0x46: {  	_ =	shalt  }
0x47: {  	_ =	shalt  }
0x48: {  	_ =	shalt  }
0x49: {  	_ =	shalt  }
0x4a: {  	_ =	shalt  }
0x4b: {  	_ =	shalt  }
0x4c: {  	_ =	shalt  }
0x4d: {  	_ =	shalt  }
0x4e: {  	_ =	shalt  }
0x4f: {  	_ =	shalt  }
0x50: {  	_ =	shalt  }
0x51: {  	_ =	shalt  }
0x52: {  	_ =	shalt  }
0x53: {  	_ =	shalt  }
0x54: {  	_ =	shalt  }
0x55: {  	_ =	shalt  }
0x56: {  	_ =	shalt  }
0x57: {  	_ =	shalt  }
0x58: {  	_ =	shalt  }
0x59: {  	_ =	shalt  }
0x5a: {  	_ =	shalt  }
0x5b: {  	_ =	shalt  }
0x5c: {  	_ =	shalt  }
0x5d: {  	_ =	shalt  }
0x5e: {  	_ =	shalt  }
0x5f: {  	_ =	shalt  }
0x60: {  	_ =	shalt  }
0x61: {  	_ =	shalt  }
0x62: {  	_ =	shalt  }
0x63: {  	_ =	shalt  }
0x64: {  	_ =	shalt  }
0x65: {  	_ =	shalt  }
0x66: {  	_ =	shalt  }
0x67: {  	_ =	shalt  }
0x68: {  	_ =	shalt  }
0x69: {  	_ =	shalt  }
0x6a: {  	_ =	shalt  }
0x6b: {  	_ =	shalt  }
0x6c: {  	_ =	shalt  }
0x6d: {  	_ =	shalt  }
0x6e: {  	_ =	shalt  }
0x6f: {  	_ =	shalt  }
0x70: {  	_ =	shalt  }
0x71: {  	_ =	shalt  }
0x72: {  	_ =	shalt  }
0x73: {  	_ =	shalt  }
0x74: {  	_ =	shalt  }
0x75: {  	_ =	shalt  }
0x76: {  	_ =	shalt  }
0x77: {  	_ =	shalt  }
0x78: {  	_ =	shalt  }
0x79: {  	_ =	shalt  }
0x7a: {  	_ =	shalt  }
0x7b: {  	_ =	shalt  }
0x7c: {  	_ =	shalt  }
0x7d: {  	_ =	shalt  }
0x7e: {  	_ =	shalt  }
0x7f: {  	_ =	shalt  }
0x80: {  	_ =	shalt  }
0x81: {  	_ =	shalt  }
0x82: {  	_ =	shalt  }
0x83: {  	_ =	shalt  }
0x84: {  	_ =	shalt  }
0x85: {  	_ =	shalt  }
0x86: {  	_ =	shalt  }
0x87: {  	_ =	shalt  }
.Lfunc_end0:
.L_simem_size_0:
called_computation_lowered:
.L_overlay_start_0:
0x88: {  	s0 =	sld [smem:$0x3FD9]  }
0x89: {  	s1 =	sld [smem:$0x3FFE];
	_ =	sdelay $0x3  }
0x8a: {  	s0 =	sadd.s32 s1, s0  }
0x8b: {  	[smem:$0x3FC5] =	sst s0  }
0x8c: {  	_ = 	snop  }
0x8d: {  	s0 =	sld [smem:$0x3FC9]  }
0x8e: {  	s16 =	sld [smem:$0x3FC7]  }
0x8f: {  	s2 =	sld [smem:$0x3FD0];
	(tm) =	ssettm $0x1  }
0x90: {  	s3 =	sld [smem:$0x3FFB];
	_ =	sdelay $0x3  }
0x91: {  	_ =	strace s3  }
0x92: {  	s3 =	sld [smem:$0x3FFC];
	_ =	sdelay $0x3  }
0x93: {  	_ =	strace s3  }
0x94: {  	s3 =	sld [smem:$0x3FFD];
	_ =	sdelay $0x3  }
0x95: {  	_ =	strace s3  }
0x96: {  	_ =	strace $0x8FFFFFFF  }
0x97: {  	s17 =	sld [smem:$0x3FDB];
	_ =	sdelay $0x1  }
0x98: {  	s4 =	simm.s32 $_scs_section_size  }
0x99: {  	s5 =	simm.s32 $_size__tile_overlayer_lowered;
	s6 =	simm.s32 $_tile_overlayer_lowered  }
0x9a: {  	s20 =	simm.s32 $0x1BFF;
	s19 =	sshll.u32 s6, $0x1;
	s3 =	sadd.s32 s4, s17  }
0x9b: {  	s7 =	simm.s32 $0x0;
	s18 =	sshll.u32 s5, $0x1;
	s5 =	sadd.s32 s19, s3  }
0x9c: {  	[timem:s7], [sflag:s20] =	dma.local [hbm:s5], s18  }
0x9d: {  	_ =	swait.ge [sflag:s20], s18  }
0x9e: {  	s4 =	ssub.s32 $0x0, s18;
	[sflag:s20] =	ssyncset.done $0x0  }
0x9f: {  	[sflag:s20] =	ssyncadd.s32 s4;
	_ =	sdelay $0x1  }
0xa0: {  	s21 =	simm.s32 $0x1B8B  }
0xa1: {  	_ =	swait.ge [sflag:s21], $0x1  }
0xa2: {  	[sflag:s21] =	ssyncset.done $0x0  }
0xa3: {  	s23 =	simm.s32 $0x1B8E;
	s22 =	sld [smem:$0x3FFE];
	[sflag:s21] =	ssyncadd.s32 $0xFFFFFFFF  }
0xa4: {  	s24 =	simm.s32 $execute0_lowered;
	[smem:$0x3FD2] =	sst s23  }
0xa5: {  	s5 =	sshll.u32 s24, $0x1;
	_ =	strace $0x80000046;
	[dreg:$0x1] =	wrdreg $0xFFFFFFFF  }
0xa6: {  	s25 =	simm.s32 $_size_execute0_lowered;
	s3 =	sadd.s32 s3, s5;
	[dreg:$0x0] =	wrdreg $0x0  }
0xa7: {  	s5 =	sshll.u32 s25, $0x1;
	[dreg:$0x2] =	wrdreg s3  }
0xa8: {  	[dreg:$0x3] =	wrdreg s5  }
0xa9: {  	[dreg:$0x4] =	wrdreg $0xC0  }
0xaa: {  	_ =	task [dreg:s7], $0x5FFFF  }
0xab: {  	[dreg:$0x1] =	wrdreg $0xFFFFFFFF  }
0xac: {  	[dreg:$0x0] =	wrdreg $0x60  }
0xad: {  	[dreg:$0x2] =	wrdreg s0  }
0xae: {  	[dreg:$0x3] =	wrdreg s22  }
0xaf: {  	[dreg:$0x4] =	wrdreg s16  }
0xb0: {  	[dreg:$0x5] =	wrdreg s2  }
0xb1: {  	[dreg:$0x6] =	wrdreg $0xC800  }
0xb2: {  	[dreg:$0x7] =	wrdreg $0x9  }
0xb3: {  	_ =	task.clear_ibuf [dreg:s7], $0x8FFFF;
	_ =	strace $0x90000046  }
0xb4: {  	s26 =	simm.s32 $0x9;
	_ =	strace $0x80000048  }
0xb5: {  	_ =	swait.ge [sflag:s26], $0x1  }
0xb6: {  	[sflag:s26] =	ssyncadd.s32 $0xFFFFFFFF  }
0xb7: {  	_ =	strace $0x90000048  }
0xb8: {  	_ =	sfence  }
0xb9: {  	s28 =	sld [smem:$0x0];
	_ =	sdelay $0x1  }
0xba: {  	s29 =	srdreg.scid  }
0xbb: {  	s30 =	sshll.u32 s29, $0xD;
	s31 =	sshrl.u32 s29, $0x2  }
0xbc: {  	s1 =	sand.u32 $0x1, s29;
	s2 =	sand.u32 $0x4000, s30;
	s0 =	sadd.s32 s31, s28  }
0xbd: {  	s1 =	sor.u32 s2, s1;
	s0 =	sshll.u32 s0, $0x11  }
0xbe: {  	s0 =	sor.u32 s0, s1  }
0xbf: {  	s0 =	sadd.s32 $0x8F2B, s0  }
0xc0: {  	[sflag:s0] =	ssyncadd.remote.s32 $0x1  }
0xc1: {  	_ =	sfence.sel $0xFFFF  }
0xc2: {  	[dreg:$0x0] =	wrdreg $0xFFFFFFFF;
	(pc) =	sbr.abs _section_cstart, $3  }
0xc3: {  	[dreg:$0x1] =	wrdreg $0xFFFFFFFF  }
0xc4: {  	_ =	task.clear_ibuf [dreg:s7], $0x2FFFF;
	_ =	strace $0x9FFFFFFF  }
0xc5: {  	(tm) =	ssettm $0x7FFFFFFF  }
tec
execute0_lowered:
.L_overlay_start_1:
0x0: {  	(tag) =	ssettag $0x1  }
0x1: {  	s0 =	rddreg [dreg:$0x0]  }
0x2: {  	s1 =	rddreg [dreg:$0x1];
	s7 =	stileid.u32  }
0x3: {  	s3 =	rddreg [dreg:$0x3];
	s2 =	smul.u32 $0x1C, s7;
	p0 =	sgt.u32 s7, $0xB  }
.Ltmp0:
0x4: {  	s6 =	rddreg [dreg:$0x4];
	s4 =	simm.s32 $0x0;
	(pc) =	sbr.rel @p0 .LBB2_2-.Ltmp0, $4  }
0x5: {  	v0 =	vlaneseq.u32;
	[smem:$0x7FF] =	sst s4;
	s31 =	sshll.u32 s7, $0x4;
	s1 =	sadd.s32 s2, s1  }
0x6: {  	s5 =	simm.s32 $0x400;
	v0 =	vmul.u32 $0x10, v0;
	_ =	strace $0x80000047;
	v1 =	vmov s31;
	s1 =	sadd.s32 $0x400, s1  }
0x7: {  	v1 =	vshll.u32 v1, $0x4;
	[tilespmem:s5], [sflag:$0x2] =	stream.linear.gather [hbm4b:s1+s4], $0xE0, $0x38;
	[tilespmem:$0xCE0] =	vst v63  }
0x8: {  	v0 =	vor.u32 v0, v1;
	s5 =	sshll.u32 s7, $0x1  }
0x9: {  	s8 =	sshll.u32 s7, $0x7  }
0xa: {  	s30 =	simm.s32 $0x3;
	s0 =	sadd.s32 s0, s8  }
0xb: {  	[tilespmem:s4], [sflag:$0x3] =	stream.linear.gather [hbm4b:s0+s4], $0x400, $0x38;
	[tilespmem:$0xCE0] =	vst v63  }
0xc: {  	_ =	swait.ge [sflag:s30], $0x400  }
0xd: {  	[sflag:s30] =	ssyncset.done $0x0  }
0xe: {  	[sflag:s30] =	ssyncadd.s32 $0xFFFFFC00  }
0xf: {  	v1 =	vld [tilespmem:$0x0]  }
0x10: {  	v2 =	vld [tilespmem:$0x80]  }
0x11: {  	v3 =	vld [tilespmem:$0x100]  }
0x12: {  	v4 =	vld [tilespmem:$0x180]  }
0x13: {  	v5 =	vld [tilespmem:$0x200]  }
0x14: {  	v6 =	vld [tilespmem:$0x280]  }
0x15: {  	v7 =	vld [tilespmem:$0x300]  }
0x16: {  	v8 =	vld [tilespmem:$0x380]  }
0x17: {  	v9 =	vld [tilespmem:$0x10]  }
0x18: {  	v10 =	vld [tilespmem:$0x90]  }
0x19: {  	v11 =	vld [tilespmem:$0x110]  }
0x1a: {  	v12 =	vld [tilespmem:$0x190]  }
0x1b: {  	v13 =	vld [tilespmem:$0x210]  }
0x1c: {  	v14 =	vld [tilespmem:$0x290]  }
0x1d: {  	v15 =	vld [tilespmem:$0x310]  }
0x1e: {  	v16 =	vld [tilespmem:$0x390]  }
0x1f: {  	v17 =	vld [tilespmem:$0x20]  }
0x20: {  	v18 =	vld [tilespmem:$0xA0]  }
0x21: {  	v19 =	vld [tilespmem:$0x120]  }
0x22: {  	v20 =	vld [tilespmem:$0x1A0]  }
0x23: {  	v21 =	vld [tilespmem:$0x220]  }
0x24: {  	v22 =	vld [tilespmem:$0x2A0]  }
0x25: {  	v23 =	vld [tilespmem:$0x320]  }
0x26: {  	v24 =	vld [tilespmem:$0x3A0]  }
0x27: {  	v25 =	vld [tilespmem:$0x30]  }
0x28: {  	v26 =	vld [tilespmem:$0xB0]  }
0x29: {  	v27 =	vld [tilespmem:$0x130]  }
0x2a: {  	v28 =	vld [tilespmem:$0x1B0]  }
0x2b: {  	v29 =	vld [tilespmem:$0x230]  }
0x2c: {  	v30 =	vld [tilespmem:$0x2B0]  }
0x2d: {  	v31 =	vld [tilespmem:$0x330]  }
0x2e: {  	v32 =	vld [tilespmem:$0x3B0]  }
0x2f: {  	v33 =	vld [tilespmem:$0x40]  }
0x30: {  	v34 =	vld [tilespmem:$0xC0]  }
0x31: {  	v35 =	vld [tilespmem:$0x140]  }
0x32: {  	v36 =	vld [tilespmem:$0x1C0]  }
0x33: {  	v37 =	vld [tilespmem:$0x240]  }
0x34: {  	v38 =	vld [tilespmem:$0x2C0]  }
0x35: {  	v39 =	vld [tilespmem:$0x340]  }
0x36: {  	v40 =	vld [tilespmem:$0x3C0]  }
0x37: {  	v41 =	vld [tilespmem:$0x50]  }
0x38: {  	v42 =	vld [tilespmem:$0xD0]  }
0x39: {  	v43 =	vld [tilespmem:$0x150]  }
0x3a: {  	v44 =	vld [tilespmem:$0x1D0]  }
0x3b: {  	v60 =	vld [tilespmem:$0x60]  }
0x3c: {  	v61 =	vld [tilespmem:$0xE0]  }
0x3d: {  	v62 =	vld [tilespmem:$0x160]  }
0x3e: {  	v53 =	vld [tilespmem:$0x70]  }
0x3f: {  	v54 =	vld [tilespmem:$0xF0]  }
0x40: {  	v55 =	vld [tilespmem:$0x170];
	v1 =	vadd.s32 v1, v2;
	v18 =	vadd.s32 v17, v18  }
0x41: {  	v45 =	vld [tilespmem:$0x250];
	v49 =	vadd.s32 v25, v26;
	v51 =	vadd.s32 v33, v34;
	v1 =	vadd.s32 v3, v1  }
0x42: {  	v46 =	vld [tilespmem:$0x2D0];
	v57 =	vadd.s32 v41, v42;
	v3 =	vadd.s32 v9, v10;
	v1 =	vadd.s32 v4, v1  }
0x43: {  	v47 =	vld [tilespmem:$0x350];
	v3 =	vadd.s32 v11, v3;
	v11 =	vadd.s32 v27, v49;
	v4 =	vadd.s32 v60, v61  }
0x44: {  	v63 =	vld [tilespmem:$0x1E0];
	v60 =	vadd.s32 v53, v54;
	v1 =	vadd.s32 v5, v1;
	v3 =	vadd.s32 v12, v3  }
0x45: {  	v48 =	vld [tilespmem:$0x2E0];
	v11 =	vadd.s32 v28, v11;
	v4 =	vadd.s32 v62, v4;
	v62 =	vadd.s32 v55, v60  }
0x46: {  	v50 =	vld [tilespmem:$0x360];
	v1 =	vadd.s32 v6, v1;
	v3 =	vadd.s32 v13, v3;
	v13 =	vadd.s32 v35, v51  }
0x47: {  	v52 =	vld [tilespmem:$0x3E0];
	v11 =	vadd.s32 v29, v11;
	v1 =	vadd.s32 v7, v1;
	v3 =	vadd.s32 v14, v3  }
0x48: {  	v56 =	vld [tilespmem:$0x1F0];
	v13 =	vadd.s32 v36, v13;
	v11 =	vadd.s32 v30, v11;
	v1 =	vadd.s32 v8, v1  }
0x49: {  	v58 =	vld [tilespmem:$0x270];
	v3 =	vadd.s32 v15, v3;
	v8 =	vadd.s32 v19, v18;
	v13 =	vadd.s32 v37, v13  }
0x4a: {  	v7 =	vld [tilespmem:$0x260];
	v11 =	vadd.s32 v31, v11;
	v19 =	vadd.s32 v43, v57;
	v3 =	vadd.s32 v16, v3  }
0x4b: {  	v59 =	vld [tilespmem:$0x2F0];
	v8 =	vadd.s32 v20, v8;
	v13 =	vadd.s32 v38, v13;
	v11 =	vadd.s32 v32, v11  }
0x4c: {  	v2 =	vld [tilespmem:$0x3D0];
	[tilespmem:$0x4E0] =	vst v1;
	v1 =	vadd.s32 v44, v19;
	v8 =	vadd.s32 v21, v8;
	v13 =	vadd.s32 v39, v13  }
0x4d: {  	v61 =	vld [tilespmem:$0x370];
	[tilespmem:$0x4F0] =	vst v3;
	v1 =	vadd.s32 v45, v1;
	v3 =	vadd.s32 v63, v4;
	v4 =	vadd.s32 v56, v62  }
0x4e: {  	v63 =	vld [tilespmem:$0x3F0];
	v8 =	vadd.s32 v22, v8;
	v13 =	vadd.s32 v40, v13;
	v1 =	vadd.s32 v46, v1  }
0x4f: {  	[tilespmem:$0x510] =	vst v11;
	v4 =	vadd.s32 v58, v4;
	v8 =	vadd.s32 v23, v8;
	v3 =	vadd.s32 v7, v3  }
0x50: {  	v1 =	vadd.s32 v47, v1;
	[tilespmem:$0x520] =	vst v13;
	v8 =	vadd.s32 v24, v8;
	v3 =	vadd.s32 v48, v3  }
0x51: {  	v1 =	vadd.s32 v2, v1;
	[tilespmem:$0x500] =	vst v8;
	v2 =	vadd.s32 v50, v3;
	v3 =	vadd.s32 v59, v4  }
0x52: {  	[tilespmem:$0x530] =	vst v1;
	v1 =	vadd.s32 v52, v2;
	v2 =	vadd.s32 v61, v3  }
0x53: {  	[tilespmem:$0x540] =	vst v1;
	v1 =	vadd.s32 v63, v2  }
0x54: {  	s1 =	simm.s32 $0x4E0;
	s31 =	sadd.s32 s8, s6;
	[tilespmem:$0x550] =	vst v1  }
0x55: {  	[spmem:s31] =	stream.linear.scatter [tilespmem:s1], [sflag:$0x3], $0x80, $0x38;
	[tilespmem:$0xCE0] =	vst v63  }
0x56: {  	_ =	swait.ge [sflag:s30], $0x80  }
0x57: {  	[sflag:s30] =	ssyncset.done $0x0  }
0x58: {  	[sflag:s30] =	ssyncadd.s32 $0xFFFFFF80  }
.LBB2_2:
0x59: {  	[bflag:$0x0] =	sbarrier.arrive $0xFFFF;
	s0 =	simm.s32 $0x560;
	s28 =	simm.s32 $0x3  }
0x5a: {  	[tilespmem:s0], [sflag:$0x3] =	stream.linear.gather [spmem:s6], $0x600, $0x38;
	[tilespmem:$0xCE0] =	vst v63  }
0x5b: {  	s1 =	simm.s32 $0x0;
	_ =	swait.ge [sflag:s28], $0x600  }
0x5c: {  	s2 =	sand.u32 $0x70, s4;
	s1 =	sand.u32 $0x80, s1;
	[sflag:s28] =	ssyncset.done $0x0  }
0x5d: {  	s29 =	sor.u32 s2, s1;
	[sflag:s28] =	ssyncadd.s32 $0xFFFFFA00  }
0x5e: {  	v1 =	vld [tilespmem:s29+$0x660]  }
0x5f: {  	v2 =	vld [tilespmem:s29+$0x560]  }
0x60: {  	v3 =	vld [tilespmem:s29+$0x760]  }
0x61: {  	v4 =	vld [tilespmem:s29+$0x860]  }
0x62: {  	v5 =	vld [tilespmem:s29+$0x960]  }
0x63: {  	v6 =	vld [tilespmem:s29+$0xA60]  }
0x64: {  	v1 =	vadd.s32 v2, v1  }
0x65: {  	v1 =	vadd.s32 v3, v1  }
0x66: {  	v1 =	vadd.s32 v4, v1  }
0x67: {  	v1 =	vadd.s32 v5, v1  }
0x68: {  	s30 =	sadd.s32 s3, s5;
	s31 =	simm.s32 $0x10;
	s3 =	simm.s32 $0x0;
	v1 =	vadd.s32 v6, v1  }
0x69: {  	s0 =	simm.s32 $0x40;
	s5 =	sand.u32 $0x80, s31;
	s1 =	simm.s32 $0x10;
	vm0 =	vlt.s32 v1, $0x40  }
0x6a: {  	v0 =	vand.u32 $0xF80, v0;
	[dreg:$0xb] =	wrdreg s30;
	s2 =	simm.s32 $0x80;
	s4 =	sand.u32 $0x70, s1;
	v1 =	vnsel vm0, $0x40, v1  }
.LBB2_3:
0x6b: {  	p0 =	sne.s32 s2, $0x3C0;
	s4 =	sor.u32 s4, s5;
	[tilespmem:s3+$0xB60] =	vst v1;
	s3 =	smov.u32 s0  }
0x6c: {  	s0 =	smov.u32 s2;
	v1 =	vld [tilespmem:s4+$0x660]  }
0x6d: {  	v2 =	vld [tilespmem:s4+$0x560]  }
0x6e: {  	v3 =	vld [tilespmem:s4+$0x760]  }
0x6f: {  	v4 =	vld [tilespmem:s4+$0x860]  }
0x70: {  	v5 =	vld [tilespmem:s4+$0x960]  }
0x71: {  	v6 =	vld [tilespmem:s4+$0xA60]  }
0x72: {  	v1 =	vadd.s32 v2, v1  }
0x73: {  	v1 =	vadd.s32 v3, v1  }
.Ltmp1:
0x74: {  	v1 =	vadd.s32 v4, v1;
	(pc) =	sbr.rel @p0 .LBB2_3-.Ltmp1, $4  }
0x75: {  	v1 =	vadd.s32 v5, v1  }
0x76: {  	v1 =	vadd.s32 v6, v1  }
0x77: {  	s5 =	sshrl.u32 s2, $0x2;
	s1 =	sadd.s32 $0x10, s1;
	s3 =	sshra.s32 s3, $0x2;
	vm0 =	vlt.s32 v1, $0x40  }
0x78: {  	s2 =	sadd.s32 $0x40, s2;
	s5 =	sand.u32 $0x80, s5;
	s4 =	sand.u32 $0x70, s1;
	v1 =	vnsel vm0, $0x40, v1  }
0x79: {  	s1 =	sor.u32 s4, s5;
	[tilespmem:s3+$0xB60] =	vst v1  }
0x7a: {  	v1 =	vld [tilespmem:s1+$0x660]  }
0x7b: {  	v2 =	vld [tilespmem:s1+$0x560]  }
0x7c: {  	v3 =	vld [tilespmem:s1+$0x760]  }
0x7d: {  	v4 =	vld [tilespmem:s1+$0x860]  }
0x7e: {  	v5 =	vld [tilespmem:s1+$0x960]  }
0x7f: {  	v6 =	vld [tilespmem:s1+$0xA60]  }
0x80: {  	v1 =	vadd.s32 v2, v1  }
0x81: {  	v1 =	vadd.s32 v3, v1  }
0x82: {  	v1 =	vadd.s32 v4, v1  }
0x83: {  	v1 =	vadd.s32 v5, v1  }
0x84: {  	v4 =	vlaneseq.u32;
	v1 =	vadd.s32 v6, v1  }
0x85: {  	v2 =	vmul.u32 $0xE, v4;
	vm0 =	vlt.s32 v1, $0x40  }
0x86: {  	s0 =	sshra.s32 s0, $0x2;
	s13 =	simm.s32 $0x0;
	v1 =	vnsel vm0, $0x40, v1  }
0x87: {  	[tilespmem:s0+$0xB60] =	vst v1;
	v1 =	vadd.s32 s13, v2  }
0x88: {  	s12 =	simm.s32 $0x2  }
0x89: {  	s2 =	simm.s32 $0x400;
	_ =	swait.ge [sflag:s12], $0xE0  }
0x8a: {  	[dreg:$0x6] =	wrdreg s2;
	[sflag:s12] =	ssyncset.done $0x0  }
0x8b: {  	s14 =	rddreg [dreg:$0x6];
	[sflag:s12] =	ssyncadd.s32 $0xFFFFFF20  }
0x8c: {  	v11 =	vld.idx.msk [tilespmem:v1+s14+$0x0], $0xffff;
	_ =	sdelay $0x4  }
0x8d: {  	(v2sf) =	vpush v11, $0x7  }
0x8e: {  	(v2sf) =	vpush v11, $0xD  }
0x8f: {  	(v2sf) =	vpush v11, $0x4  }
0x90: {  	(v2sf) =	vpush v11, $0xB  }
0x91: {  	(v2sf) =	vpush v11, $0xE  }
0x92: {  	(v2sf) =	vpush v11, $0x6  }
0x93: {  	(v2sf) =	vpush v11, $0xA  }
0x94: {  	(v2sf) =	vpush v11, $0x2  }
0x95: {  	s15 =	simm.s32 $0x1;
	(v2sf) =	vpush v11, $0x8  }
0x96: {  	v1 =	vadd.s32 s15, v2;
	(v2sf) =	vpush v11, $0x9  }
0x97: {  	(v2sf) =	vpush v11, $0x1  }
0x98: {  	(v2sf) =	vpush v11, $0x3  }
0x99: {  	(v2sf) =	vpush v11, $0xC  }
0x9a: {  	s16 =	rddreg [dreg:$0x6]  }
0x9b: {  	v1 =	vld.idx.msk [tilespmem:v1+s16+$0x0], $0xffff;
	(v2sf) =	vpush v11, $0x5  }
0x9c: {  	s28 =	spop (v2sf)  }
0x9d: {  	s21 =	spop (v2sf)  }
0x9e: {  	(v2sf) =	vpush v11, $0xF;
	s25 =	spop (v2sf)  }
0x9f: {  	(v2sf) =	vpush v11, $0x0;
	s10 =	spop (v2sf)  }
0xa0: {  	s17 =	sshra.s32 s28, $0x1F;
	(v2sf) =	vpush v1, $0x7;
	s29 =	spop (v2sf)  }
0xa1: {  	s0 =	smul.u32 $0x92492493, s17;
	s20 =	sshra.s32 s21, $0x1F;
	s15 =	spop (v2sf)  }
0xa2: {  	(v2sf) =	vpush v1, $0xD;
	s26 =	smul.u32 $0x92492493, s20;
	s16 =	spop (v2sf)  }
0xa3: {  	(v2sf) =	vpush v1, $0x4;
	[dreg:$0xe] =	wrdreg s0;
	s9 =	spop (v2sf);
	s18 =	sshra.s32 s16, $0x1F  }
0xa4: {  	s23 =	sshra.s32 s29, $0x1F;
	s24 =	spop (v2sf);
	s19 =	smul.u32 $0x92492493, s18  }
0xa5: {  	(v2sf) =	vpush v1, $0xB;
	s23 =	smul.u32 $0x92492493, s23;
	s13 =	spop (v2sf)  }
0xa6: {  	(v2sf) =	vpush v1, $0xE;
	s8 =	sshra.s32 s24, $0x1F;
	s5 =	spop (v2sf);
	[dreg:$0x12] =	wrdreg s19  }
0xa7: {  	s14 =	sshra.s32 s15, $0x1F;
	(v2sf) =	vpush v1, $0x6;
	s31 =	smul.u32 $0x92492493, s8;
	s22 =	spop (v2sf)  }
0xa8: {  	s6 =	sshra.s32 s13, $0x1F;
	s19 =	smul.u32 $0x92492493, s14;
	s4 =	spop (v2sf)  }
0xa9: {  	[dreg:$0x1c] =	wrdreg s26;
	(v2sf) =	vpush v1, $0xA;
	s20 =	smul.u32 $0x92492493, s6;
	s11 =	sshra.s32 s4, $0x1F  }
0xaa: {  	(v2sf) =	vpush v1, $0x2;
	s3 =	sshra.s32 s22, $0x1F;
	s7 =	spop (v2sf);
	s2 =	smul.u32 $0x92492493, s11  }
0xab: {  	[dreg:$0x1f] =	wrdreg s31;
	s30 =	sshra.s32 s7, $0x1F;
	s11 =	smul.u32 $0x92492493, s3  }
0xac: {  	(v2sf) =	vpush v1, $0x8;
	s0 =	sshra.s32 s5, $0x1F;
	[dreg:$0x16] =	wrdreg s19;
	s26 =	smul.u32 $0x92492493, s30  }
0xad: {  	(v2sf) =	vpush v1, $0x9;
	s12 =	spop (v2sf);
	s30 =	smul.u32 $0x92492493, s0  }
0xae: {  	s6 =	spop (v2sf);
	[smem:$0x7FD] =	sst s2  }
0xaf: {  	s14 =	sshra.s32 s10, $0x1F;
	[dreg:$0x1a] =	wrdreg s11;
	s1 =	spop (v2sf)  }
0xb0: {  	s2 =	smul.u32 $0x92492493, s14;
	s31 =	sshra.s32 s6, $0x1F;
	[dreg:$0x19] =	wrdreg s1  }
0xb1: {  	s17 =	spop (v2sf);
	s19 =	smul.u32 $0x92492493, s31  }
0xb2: {  	[dreg:$0x14] =	wrdreg s2;
	s31 =	sshra.s32 s9, $0x1F;
	s18 =	spop (v2sf)  }
0xb3: {  	s3 =	sshra.s32 s25, $0x1F;
	s2 =	smul.u32 $0x92492493, s31;
	[dreg:$0x17] =	wrdreg s18  }
0xb4: {  	s1 =	spop (v2sf);
	s18 =	smul.u32 $0x92492493, s3  }
0xb5: {  	[dreg:$0x1b] =	wrdreg s1;
	s11 =	spop (v2sf)  }
0xb6: {  	s3 =	sshra.s32 s12, $0x1F;
	[dreg:$0x1e] =	wrdreg s2;
	s8 =	spop (v2sf)  }
0xb7: {  	[dreg:$0x18] =	wrdreg s18;
	s18 =	smul.u32 $0x92492493, s3  }
0xb8: {  	[dreg:$0xc] =	wrdreg s8;
	s1 =	spop (v2sf)  }
0xb9: {  	s8 =	spop (v2sf);
	[dreg:$0x15] =	wrdreg s18  }
0xba: {  	s0 =	smulhi.u32 $0x92492493, s10;
	s18 =	sshra.s32 s17, $0x1F;
	[dreg:$0xd] =	wrdreg s8  }
0xbb: {  	s14 =	spop (v2sf);
	s31 =	smul.u32 $0x92492493, s18;
	s8 =	simm.s32 $0xB60  }
0xbc: {  	s18 =	spop (v2sf);
	[dreg:$0x7] =	wrdreg s8  }
0xbd: {  	s8 =	smulhi.u32 $0x92492493, s4;
	[dreg:$0x10] =	wrdreg s31;
	s31 =	sshra.s32 s11, $0x1F  }
0xbe: {  	[dreg:$0xf] =	wrdreg s1;
	s2 =	sshra.s32 s18, $0x1F;
	s1 =	smul.u32 $0x92492493, s31  }
0xbf: {  	s3 =	smul.u32 $0x92492493, s2  }
0xc0: {  	s31 =	smulhi.u32 $0x92492493, s28  }
0xc1: {  	s2 =	smulhi.u32 $0x92492493, s5  }
0xc2: {  	[dreg:$0x11] =	wrdreg s3;
	s3 =	smulhi.u32 $0x92492493, s25  }
0xc3: {  	[dreg:$0x13] =	wrdreg s1;
	s1 =	smulhi.u32 $0x92492493, s9  }
0xc4: {  	s10 =	ssub.s32 s0, s10;
	s28 =	ssub.s32 s31, s28;
	s31 =	smulhi.u32 $0x92492493, s29  }
0xc5: {  	s0 =	ssub.s32 s8, s4;
	s2 =	ssub.s32 s2, s5;
	s5 =	smulhi.u32 $0x92492493, s13  }
0xc6: {  	s2 =	sadd.s32 s30, s2;
	s1 =	ssub.s32 s1, s9;
	s3 =	ssub.s32 s3, s25  }
0xc7: {  	s8 =	ssub.s32 s31, s29;
	s9 =	smulhi.u32 $0x92492493, s7;
	s25 =	rddreg [dreg:$0x1c]  }
0xc8: {  	s4 =	ssub.s32 s5, s13;
	s13 =	smulhi.u32 $0x92492493, s21;
	s29 =	rddreg [dreg:$0x1f]  }
0xc9: {  	(v2sf) =	vpush v1, $0x1;
	s31 =	smulhi.u32 $0x92492493, s12;
	s5 =	sadd.s32 s23, s8;
	s4 =	sadd.s32 s20, s4  }
0xca: {  	(v2sf) =	vpush v1, $0x3;
	s23 =	smulhi.u32 $0x92492493, s24;
	s20 =	rddreg [dreg:$0x1b];
	s7 =	ssub.s32 s9, s7  }
0xcb: {  	(v2sf) =	vpush v1, $0xC;
	s9 =	ssub.s32 s13, s21;
	s13 =	smulhi.u32 $0x92492493, s16;
	s7 =	sadd.s32 s26, s7  }
0xcc: {  	(v2sf) =	vpush v1, $0x5;
	s8 =	ssub.s32 s23, s24;
	s26 =	smulhi.u32 $0x92492493, s6;
	s24 =	sld [smem:$0x7FD]  }
0xcd: {  	s9 =	sadd.s32 s25, s9;
	s25 =	smulhi.u32 $0x92492493, s22;
	s23 =	rddreg [dreg:$0x17]  }
0xce: {  	s8 =	sadd.s32 s29, s8;
	s13 =	ssub.s32 s13, s16;
	s16 =	rddreg [dreg:$0x12]  }
0xcf: {  	s29 =	smulhi.u32 $0x92492493, s15;
	s30 =	ssub.s32 s25, s22;
	s22 =	rddreg [dreg:$0x19]  }
0xd0: {  	s6 =	ssub.s32 s26, s6;
	v3 =	vmov s8;
	s8 =	ssub.s32 s31, s12;
	s31 =	rddreg [dreg:$0x1a]  }
0xd1: {  	s25 =	rddreg [dreg:$0x1e];
	s0 =	sadd.s32 s24, s0;
	s26 =	sadd.s32 s19, s6  }
0xd2: {  	s21 =	smulhi.u32 $0x92492493, s22;
	s12 =	sadd.s32 s31, s30;
	s19 =	sadd.s32 s16, s13  }
0xd3: {  	vm2 =	vcmask $0xB08;
	s16 =	smulhi.u32 $0x92492493, s20;
	s24 =	ssub.s32 s29, s15;
	s30 =	rddreg [dreg:$0x18]  }
0xd4: {  	v3 =	vsel vm2, s4, v3;
	s1 =	sadd.s32 s25, s1;
	s4 =	smulhi.u32 $0x92492493, s17;
	s31 =	rddreg [dreg:$0x6]  }
0xd5: {  	vm4 =	vcmask $0x300;
	s29 =	simm.s32 $0x2;
	s13 =	rddreg [dreg:$0x15];
	s15 =	smulhi.u32 $0x92492493, s11;
	v6 =	vmov s26  }
0xd6: {  	vm0 =	vcmask $0x1310;
	v5 =	vmov s0;
	s0 =	smulhi.u32 $0x92492493, s23;
	s26 =	rddreg [dreg:$0x16];
	s3 =	sadd.s32 s30, s3;
	v6 =	vnsel vm4, $0x0, v6  }
0xd7: {  	(v2sf) =	vpush v1, $0xF;
	s8 =	sadd.s32 s13, s8;
	v5 =	vsel vm2, s9, v5;
	s9 =	rddreg [dreg:$0x14];
	v6 =	vsel vm2, s2, v6;
	s2 =	sadd.s32 s26, s24  }
0xd8: {  	vm1 =	vcmask $0x1B18;
	v7 =	vadd.s32 s29, v2;
	v5 =	vsel vm0, s5, v5;
	s5 =	spop (v2sf);
	s6 =	sadd.s32 s9, s10;
	s24 =	rddreg [dreg:$0xe]  }
0xd9: {  	v3 =	vsel vm0, s19, v3;
	s26 =	ssub.s32 s15, s11;
	v6 =	vsel vm0, s1, v6;
	s19 =	spop (v2sf);
	v9 =	vsel vm1, s8, v5;
	s8 =	smulhi.u32 $0x92492493, s5  }
0xda: {  	vm3 =	vcmask $0x2320;
	(v2sf) =	vpush v1, $0x0;
	s15 =	sshra.s32 s14, $0x1F;
	v6 =	vsel vm1, s12, v6;
	s12 =	smulhi.u32 $0x92492493, s18;
	s9 =	spop (v2sf)  }
0xdb: {  	vm5 =	vcmask $0x2B28;
	s4 =	ssub.s32 s4, s17;
	v6 =	vsel vm3, s3, v6;
	s25 =	spop (v2sf);
	s3 =	smul.u32 $0x92492493, s15  }
0xdc: {  	s17 =	sshra.s32 s5, $0x1F;
	v5 =	vsel vm5, s7, v6;
	s7 =	sadd.s32 s24, s28;
	s29 =	smulhi.u32 $0x92492493, s25  }
0xdd: {  	v6 =	vsel vm1, s6, v3;
	s28 =	sshra.s32 s25, $0x1F;
	v3 =	vld.idx.msk [tilespmem:v7+s31+$0x0], $0xffff;
	s31 =	rddreg [dreg:$0x13];
	s24 =	smulhi.u32 $0x92492493, s14  }
0xde: {  	v8 =	vimm.s32 $0xECA86420;
	s30 =	ssub.s32 s12, s18;
	s18 =	rddreg [dreg:$0x11];
	s11 =	smul.u32 $0x92492493, s28  }
0xdf: {  	vm6 =	vcmask $0x3330;
	v8 =	vunpack.c.l.s4.s8 v8;
	s13 =	sadd.s32 s31, s26;
	s28 =	smulhi.u32 $0x92492493, s9;
	s31 =	rddreg [dreg:$0xf]  }
0xe0: {  	vm7 =	vcmask $0x3B38;
	v10 =	vsel vm6, s2, v5;
	s1 =	sadd.s32 s18, s30;
	s2 =	ssub.s32 s0, s23;
	s10 =	smulhi.u32 $0x92492493, s31  }
0xe1: {  	v7 =	vmul.u32 $0x2, v4;
	v5 =	vunpack.c.0.s8.s32 v8;
	v4 =	vcombine.low v6, v9;
	s18 =	sshra.s32 s9, $0x1F;
	s26 =	ssub.s32 s24, s14;
	s24 =	smul.u32 $0x92492493, s17  }
0xe2: {  	s0 =	sshra.s32 s23, $0x1F;
	v6 =	vsel vm7, s7, v10;
	s14 =	ssub.s32 s8, s5;
	s5 =	smul.u32 $0x92492493, s18  }
0xe3: {  	s25 =	ssub.s32 s29, s25;
	s29 =	rddreg [dreg:$0x10];
	s0 =	smul.u32 $0x92492493, s0;
	v4 =	vperm.xlane v4, v5;
	v8 =	vperm.xlane v6, v7  }
0xe4: {  	vm8 =	vmmov $0xff;
	s11 =	sadd.s32 s11, s25;
	s12 =	sadd.s32 s29, s4;
	s30 =	sadd.s32 s3, s26  }
0xe5: {  	v10 =	vadd.s32 $0xFFFFF900, v11;
	s6 =	ssub.s32 s28, s9;
	s25 =	ssub.s32 s21, s22;
	s26 =	sshra.s32 s22, $0x1F;
	v8 =	vsel vm8, v8, v4  }
0xe6: {  	v6 =	vimm.s32 $0x0;
	s28 =	sshra.s32 s19, $0x1F;
	s29 =	smulhi.u32 $0x92492493, s19;
	s9 =	spop (v2sf);
	(v2sf) =	vpush v3, $0x7;
	v8 =	vadd.s32 v11, v8  }
0xe7: {  	s4 =	smov.u32 s20;
	[dreg:$0x8] =	wrdreg s25;
	s7 =	smul.u32 $0x92492493, s28;
	(v2sf) =	vpush v3, $0xD;
	v9 =	vshrl.u32 v8, $0x1F;
	v8 =	vshra.s32 v8, $0x2  }
0xe8: {  	v12 =	vmov s30;
	s5 =	sadd.s32 s5, s6;
	s30 =	sshra.s32 s31, $0x1F;
	s8 =	smul.u32 $0x92492493, s26;
	(v2sf) =	vpush v3, $0x4;
	v8 =	vadd.s32 v9, v8  }
0xe9: {  	vm9 =	vgt.s32 v10, $0x0;
	s21 =	spop (v2sf);
	s6 =	ssub.s32 s29, s19;
	s19 =	smul.u32 $0x92492493, s30;
	(v2sf) =	vpush v3, $0xB;
	v9 =	vmul.u32 $0xFFFFFFF9, v8  }
0xea: {  	s3 =	sadd.s32 s24, s14;
	v10 =	vnsel vm9, $0x0, v10;
	vm9 =	vlt.s32 v11, $0x1;
	s24 =	rddreg [dreg:$0xc];
	s23 =	smulhi.u32 $0x92492493, s21;
	(v2sf) =	vpush v3, $0xE  }
0xeb: {  	s31 =	smov.u32 s31;
	s22 =	sshra.s32 s4, $0x1F;
	v4 =	vimm.s32 $0x30;
	s25 =	smulhi.u32 $0x92492493, s24;
	(v2sf) =	vpush v3, $0x6;
	v13 =	vadd.s32 v11, v9  }
0xec: {  	s10 =	ssub.s32 s10, s31;
	v15 =	vmov s5;
	s28 =	sshra.s32 s24, $0x1F;
	s30 =	smulhi.u32 $0x92492493, s9;
	(v2sf) =	vpush v3, $0xA;
	vm10 =	vne.s32 v13, $0x0  }
0xed: {  	s26 =	sshra.s32 s21, $0x1F;
	s17 =	smul.u32 $0x92492493, s28;
	s4 =	sadd.s32 s19, s10;
	v9 =	vmax.u32 v10, $0x6;
	(v2sf) =	vpush v3, $0x2;
	vm9 =	vmand vm9, vm10  }
0xee: {  	s10 =	smul.u32 $0x92492493, s26;
	s5 =	ssub.s32 s25, s24;
	s25 =	sshra.s32 s9, $0x1F;
	v14 =	vsub.s32 v9, v10;
	v9 =	vadd.s32 $0xFFFFF900, v1;
	v10 =	vsel vm9, $0xFFFFFFFF, v6  }
0xef: {  	v12 =	vsel vm2, s1, v12;
	s28 =	smul.u32 $0x92492493, s25;
	vm9 =	vgt.s32 v9, $0x0;
	v8 =	vadd.s32 v10, v8  }
0xf0: {  	s1 =	sadd.s32 s7, s6;
	v15 =	vsel vm2, s12, v15;
	s6 =	ssub.s32 s23, s21;
	s15 =	ssub.s32 s30, s9;
	v9 =	vnsel vm9, $0x0, v9;
	vm9 =	vlt.s32 v8, $0xFF  }
0xf1: {  	s0 =	sadd.s32 s0, s2;
	v16 =	vadd.s32 $0xFFFFF900, v3;
	v15 =	vsel vm0, s13, v15;
	s6 =	sadd.s32 s10, s6;
	s2 =	sadd.s32 s28, s15;
	v17 =	vnsel vm9, $0xFF, v8  }
0xf2: {  	s18 =	rddreg [dreg:$0xd];
	v62 =	vmov s6;
	v15 =	vsel vm1, s2, v15;
	(v2sf) =	vpush v3, $0x8  }
0xf3: {  	s20 =	ssub.s32 s16, s20;
	s14 =	smulhi.u32 $0x92492493, s18;
	v60 =	vadd.s32 $0x7, v13;
	vm10 =	vgt.s32 v16, $0x0;
	(v2sf) =	vpush v3, $0x9  }
0xf4: {  	s16 =	simm.s32 $0x3;
	s31 =	rddreg [dreg:$0x7];
	s24 =	sshra.s32 s18, $0x1F;
	v14 =	vshrl.u32 v4, v14;
	(v2sf) =	vpush v3, $0x1;
	v10 =	vmax.u32 v9, $0x6  }
0xf5: {  	s29 =	ssub.s32 s14, s18;
	s26 =	smul.u32 $0x92492493, s24;
	v10 =	vsub.s32 v10, v9;
	v9 =	vshll.u32 v6, $0x1;
	vm9 =	vlt.s32 v13, $0x0;
	s10 =	spop (v2sf)  }
0xf6: {  	s7 =	smul.u32 $0x92492493, s22;
	s23 =	sadd.s32 s17, s5;
	v8 =	vnsel vm10, $0x0, v16;
	v16 =	vnsel vm4, $0x0, v62;
	v13 =	vsel vm9, v60, v13;
	s14 =	spop (v2sf);
	v17 =	vld.idx.msk [tilespmem:v17+s31+$0x0], $0xffff  }
0xf7: {  	s29 =	sadd.s32 s26, s29;
	v61 =	vmax.u32 v8, $0x6;
	v16 =	vsel vm2, s3, v16;
	(v2sf) =	vpush v3, $0x3;
	s12 =	smulhi.u32 $0x92492493, s10;
	s18 =	spop (v2sf)  }
0xf8: {  	vm9 =	vlt.s32 v11, $0x700;
	v16 =	vsel vm0, s29, v16;
	(v2sf) =	vpush v3, $0xC;
	s31 =	sadd.s32 s7, s20;
	s21 =	smulhi.u32 $0x92492493, s14;
	s22 =	spop (v2sf)  }
0xf9: {  	v11 =	vsel vm0, s4, v12;
	v8 =	vsub.s32 v61, v8;
	v12 =	vsel vm1, s1, v16;
	s30 =	sshra.s32 s18, $0x1F;
	s24 =	smulhi.u32 $0x92492493, s18;
	s20 =	spop (v2sf)  }
0xfa: {  	v13 =	vsub.s32 $0x6, v13;
	v12 =	vsel vm3, s0, v12;
	s19 =	sshra.s32 s10, $0x1F;
	(v2sf) =	vpush v3, $0x5;
	[dreg:$0x9] =	wrdreg s30;
	s6 =	spop (v2sf)  }
0xfb: {  	v63 =	vsel vm5, s11, v12;
	v11 =	vsel vm1, s31, v11;
	s17 =	smulhi.u32 $0x92492493, s22;
	s7 =	sshra.s32 s22, $0x1F;
	s9 =	spop (v2sf);
	v17 =	vshrl.u32 v17, v13  }
0xfc: {  	v12 =	vcombine.low v11, v15;
	s11 =	smulhi.u32 $0x92492493, s9;
	s0 =	sshra.s32 s9, $0x1F;
	v13 =	vsel vm6, s23, v63;
	s13 =	spop (v2sf);
	v11 =	vsel vm9, v17, v14  }
.LBB2_5:
0xfd: {  	s1 =	smulhi.u32 $0x92492493, s13  }
0xfe: {  	s2 =	smov.u32 s16;
	s25 =	smul.u32 $0x92492493, s19;
	s3 =	rddreg [dreg:$0x6]  }
0xff: {  	s5 =	rddreg [dreg:$0x8];
	s30 =	sshra.s32 s20, $0x1F;
	s7 =	smul.u32 $0x92492493, s7  }
0x100: {  	s2 =	sadd.s32 $0x1, s16;
	s17 =	ssub.s32 s17, s22;
	s22 =	smul.u32 $0x92492493, s0  }
0x101: {  	s0 =	sadd.s32 s8, s5;
	s5 =	ssub.s32 s12, s10;
	[dreg:$0xa] =	wrdreg s2  }
0x102: {  	v14 =	vadd.s32 s16, v2;
	s8 =	sshra.s32 s14, $0x1F;
	s30 =	smul.u32 $0x92492493, s30;
	[dreg:$0x8] =	wrdreg s5  }
0x103: {  	s8 =	smul.u32 $0x92492493, s8;
	s28 =	spop (v2sf)  }
0x104: {  	s18 =	ssub.s32 s24, s18;
	s5 =	smulhi.u32 $0x92492493, s20;
	(v2sf) =	vpush v3, $0xF;
	s2 =	spop (v2sf)  }
0x105: {  	s19 =	ssub.s32 s1, s13;
	s1 =	smulhi.u32 $0x92492493, s2;
	s23 =	spop (v2sf)  }
0x106: {  	v11 =	vand.u32 $0x1, v11;
	s31 =	sshra.s32 s2, $0x1F;
	s29 =	smulhi.u32 $0x92492493, s23;
	s26 =	spop (v2sf)  }
0x107: {  	v9 =	vor.u32 v9, v11;
	s20 =	ssub.s32 s5, s20;
	v11 =	vld.idx.msk [tilespmem:v14+s3+$0x0], $0xffff;
	s31 =	smul.u32 $0x92492493, s31;
	s4 =	spop (v2sf)  }
0x108: {  	v13 =	vsel vm7, s0, v13;
	(v2sf) =	vpush v3, $0x0;
	s0 =	sshra.s32 s26, $0x1F;
	s24 =	ssub.s32 s1, s2;
	s15 =	smulhi.u32 $0x92492493, s4  }
0x109: {  	s1 =	sadd.s32 s30, s20;
	s20 =	sadd.s32 s31, s24;
	s24 =	smulhi.u32 $0x92492493, s28  }
0x10a: {  	v12 =	vperm.xlane v12, v5;
	v13 =	vperm.xlane v13, v7;
	s2 =	sshra.s32 s6, $0x1F;
	s0 =	smul.u32 $0x92492493, s0  }
0x10b: {  	s10 =	spop (v2sf);
	s2 =	smul.u32 $0x92492493, s2  }
0x10c: {  	v12 =	vsel vm8, v13, v12;
	(v2sf) =	vpush v11, $0x7;
	s31 =	sshra.s32 s23, $0x1F;
	s5 =	smulhi.u32 $0x92492493, s10  }
0x10d: {  	s21 =	ssub.s32 s21, s14;
	v12 =	vadd.s32 v1, v12;
	s12 =	sshra.s32 s10, $0x1F;
	(v2sf) =	vpush v11, $0xD;
	s14 =	smul.u32 $0x92492493, s31  }
0x10e: {  	v13 =	vshrl.u32 v12, $0x1F;
	v12 =	vshra.s32 v12, $0x2;
	s3 =	ssub.s32 s15, s4;
	s15 =	sshra.s32 s28, $0x1F;
	s12 =	smul.u32 $0x92492493, s12;
	(v2sf) =	vpush v11, $0x4  }
0x10f: {  	v12 =	vadd.s32 v13, v12;
	s4 =	sshra.s32 s4, $0x1F;
	s30 =	smul.u32 $0x92492493, s15  }
0x110: {  	p0 =	sne.s32 s16, $0xD;
	v13 =	vmul.u32 $0xFFFFFFF9, v12;
	v14 =	vadd.s32 $0xFFFFF900, v11;
	s29 =	ssub.s32 s29, s23;
	(v2sf) =	vpush v11, $0xB;
	s4 =	smul.u32 $0x92492493, s4  }
0x111: {  	vm9 =	vgt.s32 v14, $0x0;
	s5 =	ssub.s32 s5, s10;
	s16 =	sadd.s32 s14, s29;
	s29 =	smulhi.u32 $0x92492493, s6;
	(v2sf) =	vpush v11, $0xE  }
0x112: {  	v13 =	vadd.s32 v1, v13;
	v14 =	vnsel vm9, $0x0, v14;
	s23 =	sadd.s32 s12, s5;
	s12 =	ssub.s32 s24, s28;
	s24 =	smulhi.u32 $0x92492493, s26;
	(v2sf) =	vpush v11, $0x6  }
0x113: {  	vm9 =	vlt.s32 v1, $0x1;
	vm10 =	vne.s32 v13, $0x0;
	s5 =	sadd.s32 s8, s21;
	s4 =	sadd.s32 s4, s3;
	s15 =	spop (v2sf);
	(v2sf) =	vpush v11, $0xA  }
0x114: {  	vm9 =	vmand vm9, vm10;
	s8 =	sadd.s32 s30, s12;
	s28 =	ssub.s32 s24, s26;
	v17 =	vmov s4;
	s26 =	rddreg [dreg:$0x9];
	(v2sf) =	vpush v11, $0x2  }
0x115: {  	v16 =	vsel vm9, $0xFFFFFFFF, v6;
	v15 =	vmov s8;
	s8 =	smov.u32 s25;
	s25 =	sshra.s32 s13, $0x1F;
	v60 =	vsel vm2, s5, v17;
	s5 =	smul.u32 $0x92492493, s26  }
0x116: {  	v12 =	vadd.s32 v16, v12;
	s30 =	rddreg [dreg:$0x7];
	s6 =	ssub.s32 s29, s6;
	s29 =	smul.u32 $0x92492493, s25  }
0x117: {  	s10 =	ssub.s32 s11, s9;
	vm9 =	vlt.s32 v12, $0xFF;
	s21 =	smulhi.u32 $0x92492493, s15;
	s31 =	spop (v2sf)  }
0x118: {  	v12 =	vnsel vm9, $0xFF, v12;
	s2 =	sadd.s32 s2, s6;
	v15 =	vsel vm2, s20, v15;
	s11 =	smulhi.u32 $0x92492493, s31;
	s20 =	sshra.s32 s31, $0x1F  }
0x119: {  	s0 =	sadd.s32 s0, s28;
	s28 =	sshra.s32 s15, $0x1F;
	s24 =	smul.u32 $0x92492493, s20  }
0x11a: {  	v62 =	vshrl.u32 v4, v10;
	vm11 =	vlt.s32 v13, $0x0;
	v58 =	vadd.s32 $0x7, v13;
	s6 =	smul.u32 $0x92492493, s28;
	s3 =	ssub.s32 s21, s15;
	s4 =	ssub.s32 s11, s31  }
0x11b: {  	v13 =	vsel vm11, v58, v13;
	v59 =	vmax.u32 v14, $0x6;
	(v2sf) =	vpush v11, $0x8;
	s21 =	sadd.s32 s22, s10;
	s10 =	spop (v2sf);
	s4 =	sadd.s32 s24, s4  }
0x11c: {  	v14 =	vsub.s32 v59, v14;
	(v2sf) =	vpush v11, $0x9;
	s12 =	smulhi.u32 $0x92492493, s10;
	s14 =	spop (v2sf);
	v61 =	vmov s4  }
0x11d: {  	s5 =	sadd.s32 s5, s18;
	v18 =	vld.idx.msk [tilespmem:v12+s30+$0x0], $0xffff;
	(v2sf) =	vpush v11, $0x1;
	v19 =	vsel vm0, s21, v15;
	s18 =	spop (v2sf);
	s21 =	smulhi.u32 $0x92492493, s14;
	v12 =	vnsel vm4, $0x0, v61  }
0x11e: {  	v13 =	vsub.s32 $0x6, v13;
	s3 =	sadd.s32 s6, s3;
	(v2sf) =	vpush v11, $0x3;
	s24 =	smulhi.u32 $0x92492493, s18;
	s4 =	sadd.s32 s29, s19;
	v12 =	vsel vm2, s16, v12  }
.Ltmp2:
0x11f: {  	vm9 =	vlt.s32 v1, $0x700;
	(v2sf) =	vpush v11, $0xC;
	s30 =	sshra.s32 s18, $0x1F;
	s22 =	spop (v2sf);
	v12 =	vsel vm0, s4, v12;
	(pc) =	sbr.rel @p0 .LBB2_5-.Ltmp2, $4  }
0x120: {  	v16 =	vsel vm0, s1, v60;
	(v2sf) =	vpush v11, $0x5;
	s31 =	sadd.s32 s7, s17;
	[dreg:$0x9] =	wrdreg s30;
	s20 =	spop (v2sf);
	v12 =	vsel vm1, s0, v12  }
0x121: {  	v1 =	vmovc v3;
	v3 =	vmovc v11;
	v11 =	vsel vm1, s3, v16;
	v15 =	vsel vm1, s31, v19;
	s17 =	smulhi.u32 $0x92492493, s22;
	s7 =	sshra.s32 s22, $0x1F;
	s6 =	spop (v2sf);
	v63 =	vsel vm3, s5, v12  }
0x122: {  	v10 =	vmovc v8;
	v8 =	vmovc v14;
	v14 =	vshrl.u32 v18, v13;
	s19 =	sshra.s32 s10, $0x1F;
	s16 =	rddreg [dreg:$0xa];
	v12 =	vcombine.low v15, v11;
	s9 =	spop (v2sf);
	v11 =	vsel vm5, s23, v63  }
0x123: {  	v9 =	vshll.u32 v9, $0x1;
	s11 =	smulhi.u32 $0x92492493, s9;
	s0 =	sshra.s32 s9, $0x1F;
	s13 =	spop (v2sf);
	v13 =	vsel vm6, s2, v11;
	v11 =	vsel vm9, v14, v62  }
0x124: {  	_ =	sdelay $0x4  }
0x125: {  	s0 =	smul.u32 $0x92492493, s0;
	s1 =	sshra.s32 s14, $0x1F  }
0x126: {  	s28 =	sshra.s32 s20, $0x1F;
	s15 =	smul.u32 $0x92492493, s1;
	s2 =	spop (v2sf)  }
0x127: {  	s18 =	ssub.s32 s24, s18;
	s23 =	smul.u32 $0x92492493, s28;
	(v2sf) =	vpush v3, $0xF;
	s3 =	spop (v2sf)  }
0x128: {  	[dreg:$0x1d] =	wrdreg s0;
	(v2sf) =	vpush v3, $0x0;
	s29 =	sshra.s32 s3, $0x1F;
	s24 =	smulhi.u32 $0x92492493, s3  }
0x129: {  	s31 =	sshra.s32 s2, $0x1F;
	s4 =	spop (v2sf);
	s26 =	smul.u32 $0x92492493, s29  }
0x12a: {  	s5 =	spop (v2sf);
	s29 =	smul.u32 $0x92492493, s31  }
0x12b: {  	s1 =	ssub.s32 s17, s22;
	s31 =	smulhi.u32 $0x92492493, s4;
	s16 =	spop (v2sf)  }
0x12c: {  	s0 =	sshra.s32 s4, $0x1F;
	s3 =	ssub.s32 s24, s3;
	s22 =	smulhi.u32 $0x92492493, s16  }
0x12d: {  	s25 =	spop (v2sf);
	s4 =	ssub.s32 s31, s4;
	s31 =	smulhi.u32 $0x92492493, s20  }
0x12e: {  	s3 =	sadd.s32 s26, s3;
	s26 =	smulhi.u32 $0x92492493, s2;
	s30 =	sshra.s32 s25, $0x1F  }
0x12f: {  	s14 =	ssub.s32 s21, s14;
	s17 =	rddreg [dreg:$0x8];
	s28 =	smul.u32 $0x92492493, s30  }
0x130: {  	s8 =	sadd.s32 s8, s17;
	s30 =	smul.u32 $0x92492493, s0;
	s17 =	ssub.s32 s22, s16  }
0x131: {  	s16 =	sshra.s32 s16, $0x1F;
	s2 =	ssub.s32 s26, s2;
	s26 =	smulhi.u32 $0x92492493, s5  }
0x132: {  	s0 =	sshra.s32 s5, $0x1F;
	s20 =	ssub.s32 s31, s20;
	s16 =	smul.u32 $0x92492493, s16  }
0x133: {  	s14 =	sadd.s32 s15, s14;
	s22 =	smul.u32 $0x92492493, s0;
	s20 =	sadd.s32 s23, s20  }
0x134: {  	s23 =	smulhi.u32 $0x92492493, s25;
	s2 =	sadd.s32 s29, s2;
	s29 =	rddreg [dreg:$0x9]  }
0x135: {  	s4 =	sadd.s32 s30, s4;
	s15 =	smul.u32 $0x92492493, s29;
	s30 =	sshra.s32 s13, $0x1F  }
0x136: {  	s5 =	ssub.s32 s26, s5;
	s26 =	smul.u32 $0x92492493, s30;
	s24 =	spop (v2sf)  }
0x137: {  	s30 =	smulhi.u32 $0x92492493, s6;
	s31 =	spop (v2sf)  }
0x138: {  	s23 =	ssub.s32 s23, s25;
	s0 =	sshra.s32 s31, $0x1F;
	s25 =	smulhi.u32 $0x92492493, s31  }
0x139: {  	s16 =	sadd.s32 s16, s17;
	s0 =	smul.u32 $0x92492493, s0  }
0x13a: {  	s17 =	smul.u32 $0x92492493, s19;
	s21 =	sadd.s32 s28, s23;
	s23 =	ssub.s32 s25, s31  }
0x13b: {  	s28 =	smulhi.u32 $0x92492493, s13;
	s0 =	sadd.s32 s0, s23  }
0x13c: {  	s5 =	sadd.s32 s22, s5;
	v14 =	vmov s16;
	s31 =	smulhi.u32 $0x92492493, s24;
	v2 =	vmov s0  }
0x13d: {  	v14 =	vsel vm2, s14, v14;
	s14 =	smul.u32 $0x92492493, s7;
	s29 =	sshra.s32 s24, $0x1F;
	s23 =	ssub.s32 s28, s13;
	v2 =	vnsel vm4, $0x0, v2  }
0x13e: {  	v12 =	vperm.xlane v12, v5;
	s13 =	sshra.s32 s6, $0x1F;
	s28 =	ssub.s32 s31, s24;
	s0 =	sadd.s32 s26, s23;
	v2 =	vsel vm2, s4, v2  }
0x13f: {  	v13 =	vsel vm7, s8, v13;
	v15 =	vmov s2;
	s31 =	ssub.s32 s11, s9;
	s9 =	smul.u32 $0x92492493, s29;
	s11 =	rddreg [dreg:$0x1d];
	v2 =	vsel vm0, s0, v2  }
0x140: {  	v13 =	vperm.xlane v13, v7;
	v15 =	vsel vm2, s3, v15;
	s15 =	sadd.s32 s15, s18;
	s2 =	sadd.s32 s11, s31;
	s0 =	smul.u32 $0x92492493, s13;
	v2 =	vsel vm1, s5, v2  }
0x141: {  	s16 =	ssub.s32 s30, s6;
	v14 =	vsel vm0, s20, v14;
	s1 =	sadd.s32 s14, s1;
	s4 =	sadd.s32 s9, s28;
	v15 =	vsel vm0, s2, v15;
	v2 =	vsel vm3, s15, v2  }
0x142: {  	s18 =	ssub.s32 s12, s10;
	v14 =	vsel vm1, s4, v14;
	v15 =	vsel vm1, s1, v15;
	s0 =	sadd.s32 s0, s16;
	v2 =	vsel vm5, s21, v2  }
0x143: {  	s19 =	sadd.s32 s17, s18;
	v45 =	vcombine.low v15, v14;
	v2 =	vsel vm6, s0, v2  }
0x144: {  	v12 =	vsel vm8, v13, v12;
	v2 =	vsel vm7, s19, v2  }
0x145: {  	v12 =	vadd.s32 v1, v12;
	v47 =	vperm.xlane v45, v5;
	v2 =	vperm.xlane v2, v7  }
0x146: {  	v46 =	vshrl.u32 v12, $0x1F;
	v12 =	vshra.s32 v12, $0x2  }
0x147: {  	v48 =	vadd.s32 v46, v12;
	v2 =	vsel vm8, v2, v47  }
0x148: {  	v12 =	vmul.u32 $0xFFFFFFF9, v48;
	v2 =	vadd.s32 v3, v2  }
0x149: {  	v50 =	vshrl.u32 v2, $0x1F;
	v2 =	vshra.s32 v2, $0x2  }
0x14a: {  	v49 =	vadd.s32 v1, v12;
	v2 =	vadd.s32 v50, v2  }
0x14b: {  	vm5 =	vlt.s32 v1, $0x1;
	vm6 =	vne.s32 v49, $0x0;
	v12 =	vmul.u32 $0xFFFFFFF9, v2  }
0x14c: {  	vm0 =	vmand vm5, vm6  }
0x14d: {  	v51 =	vsel vm0, $0xFFFFFFFF, v6;
	v12 =	vadd.s32 v3, v12  }
0x14e: {  	v7 =	vadd.s32 v51, v48;
	vm8 =	vlt.s32 v3, $0x1;
	vm9 =	vne.s32 v12, $0x0  }
0x14f: {  	vm7 =	vlt.s32 v7, $0xFF;
	vm10 =	vmand vm8, vm9  }
0x150: {  	v7 =	vnsel vm7, $0xFF, v7;
	v52 =	vsel vm10, $0xFFFFFFFF, v6  }
0x151: {  	v2 =	vadd.s32 v52, v2  }
0x152: {  	vm11 =	vlt.s32 v2, $0xFF  }
0x153: {  	v2 =	vnsel vm11, $0xFF, v2  }
0x154: {  	s20 =	rddreg [dreg:$0x7]  }
0x155: {  	v53 =	vld.idx.msk [tilespmem:v7+s20+$0x0], $0xffff;
	_ =	sdelay $0x1  }
0x156: {  	vm12 =	vlt.s32 v49, $0x0;
	v54 =	vadd.s32 $0x7, v49;
	s21 =	rddreg [dreg:$0x7]  }
0x157: {  	v11 =	vand.u32 $0x1, v11;
	v56 =	vshrl.u32 v4, v10;
	v5 =	vsel vm12, v54, v49;
	v2 =	vld.idx.msk [tilespmem:v2+s21+$0x0], $0xffff  }
0x158: {  	vm13 =	vlt.s32 v1, $0x700;
	v60 =	vshrl.u32 v4, v8;
	v5 =	vsub.s32 $0x6, v5  }
0x159: {  	vm14 =	vlt.s32 v12, $0x0;
	v58 =	vadd.s32 $0x7, v12;
	v57 =	vshrl.u32 v53, v5  }
0x15a: {  	v55 =	vor.u32 v9, v11;
	v5 =	vsel vm14, v58, v12;
	v1 =	vsel vm13, v57, v56  }
0x15b: {  	v59 =	vshll.u32 v55, $0x1;
	v5 =	vsub.s32 $0x6, v5;
	v1 =	vand.u32 $0x1, v1  }
0x15c: {  	vm15 =	vlt.s32 v3, $0x700;
	v1 =	vor.u32 v59, v1;
	v2 =	vshrl.u32 v2, v5  }
0x15d: {  	v1 =	vshll.u32 v1, $0x1;
	v2 =	vsel vm15, v2, v60  }
0x15e: {  	v62 =	vlaneseq.u32;
	v61 =	vshrl.u32 v1, $0x7;
	v2 =	vand.u32 $0x1, v2  }
0x15f: {  	v63 =	vand.u32 $0x7, v62;
	v0 =	vadd.s32 v0, v61;
	v1 =	vor.u32 v1, v2  }
0x160: {  	v0 =	vshll.u32 v0, $0xA;
	v2 =	vmul.u32 $0x80, v63;
	v1 =	vand.u32 $0x7F, v1  }
0x161: {  	v0 =	vor.u32 v1, v0  }
0x162: {  	s22 =	simm.s32 $0x10;
	s25 =	rddreg [dreg:$0x2];
	v0 =	vor.u32 v2, v0  }
0x163: {  	s23 =	simm.s32 $0xC60;
	s24 =	simm.s32 $0xC70;
	s26 =	simm.s32 $0x1;
	[tilespmem:$0xC60] =	vst v0  }
0x164: {  	[tilespmem:s24], [sflag:$0x1] =	stream.indirect.gather [hbm4b:s25+s22], $0x1, s23, s22, $0xb8;
	[tilespmem:$0xCE0] =	vst v63  }
0x165: {  	_ =	swait.ge [sflag:s26], $0x10  }
0x166: {  	s30 =	simm.s32 $0x3;
	[sflag:s26] =	ssyncset.done $0x0  }
0x167: {  	s28 =	simm.s32 $0x0;
	s29 =	rddreg [dreg:$0xb];
	[sflag:s26] =	ssyncadd.s32 $0xFFFFFFF0  }
0x168: {  	[hbm4b:s29+s28] =	stream.linear.scatter [tilespmem:s24], [sflag:$0x3], $0x10, $0x38;
	[tilespmem:$0xCE0] =	vst v63  }
0x169: {  	_ =	swait.ge [sflag:s30], $0x10  }
0x16a: {  	[sflag:s30] =	ssyncset.done $0x0  }
0x16b: {  	[sflag:s30] =	ssyncadd.s32 $0xFFFFFFF0  }
0x16c: {  	_ =	sfence.sel $0x180000  }
0x16d: {  	[bflag:$0x0] =	sbarrier.arrive $0xFFFF  }
0x16e: {  	_ =	strace $0x90000047  }
0x16f: {  	s31 =	stileid.u32;
	[bflag:$0x2] =	sbarrier.arrive $0xFFFF  }
0x170: {  	p0 =	sne.s32 s31, $0x0;
	s0 =	rddreg [dreg:$0x5]  }
0x171: {  	s0 =	sadd.s32 @!p0 $0x100000, s0  }
0x172: {  	[sflag:s0] =	ssyncadd.tile.s32 @!p0 $0x1;
	_ =	shalt  }
.Lfunc_end2:
_tile_overlayer_lowered:
.L_overlay_start_2:
0x173: {  	(tag) =	ssettag $0x2  }
0x174: {  	s0 =	rddreg [dreg:$0x0];
	s2 =	stileid.u32  }
0x175: {  	s1 =	rddreg [dreg:$0x1];
	p0 =	sne.s32 s2, $0x0  }
0x176: {  	s3 =	rddreg [dreg:$0x2];
	[bflag:$0x3] =	sbarrier.arrive $0xFFFF;
	s2 =	simm.s32 @!p0 $0x1C03  }
0x177: {  	[timem:s3], [sflag:s2] =	dma.local @!p0 [hbm:s0], s1  }
0x178: {  	s0 =	simm.s32 @!p0 $0x3  }
0x179: {  	_ =	swait.ge @!p0 [sflag:s0], s1  }
0x17a: {  	s1 =	ssub.s32 @!p0 $0x0, s1;
	[sflag:s0] =	ssyncset.done @!p0 $0x0  }
0x17b: {  	[sflag:s0] =	ssyncadd.s32 @!p0 s1  }
0x17c: {  	[bflag:$0x3] =	sbarrier.arrive $0xFFFF  }
0x17d: {  	_ =	shalt  }

</sc_bundles>
